<compile_context>
chip_gen: v7x
topology: tpu7x:2x2x1
jax: 0.10.2.dev20260603
libtpu: 0.0.44.dev20260713+nightly
codegen_flags: <defaults>
</compile_context>

<pallas_src>
import functools

import jax
import jax.numpy as jnp
from jax import lax
from jax.experimental import pallas as pl
from jax.experimental.pallas import tpu as pltpu
from jax.experimental.pallas import tpu_sc as plsc

B, N, S, K = 8, 2048, 512, 32
D_F, D_P = 20, 64
C0 = 24
CT = 128
ROWS = B * S * K
RT = 4096
NSTEP = ROWS // RT

_f32 = jnp.float32
_i32 = jnp.int32


def _fps_body(c_ref, out_ref):
    cb = c_ref[0]
    lane_s = lax.broadcasted_iota(_i32, (S,), 0)

    def body(i, state):
        dist, far, cent = state
        cent = jnp.where(lane_s == i, far, cent)
        c = c_ref[0, pl.ds(far, 1), :]
        d = jnp.sum((cb - c) ** 2, axis=1)
        dist = jnp.minimum(dist, d)
        far = jnp.argmax(dist).astype(_i32)
        return dist, far, cent

    init = (jnp.full((N,), 1e10, _f32), jnp.int32(0), jnp.zeros((S,), _i32))
    _, _, cent = lax.fori_loop(0, S, body, init)
    out_ref[0, 0, :] = cent


def _run_fps(combined):
    return pl.pallas_call(
        _fps_body,
        grid=(B,),
        in_specs=[pl.BlockSpec((1, N, C0), lambda b: (b, 0, 0))],
        out_specs=pl.BlockSpec((1, 1, S), lambda b: (b, 0, 0)),
        out_shape=jax.ShapeDtypeStruct((B, 1, S), _i32),
    )(combined)


def _fps_body_t(t_ref, out_ref):
    xt = t_ref[...]
    iota2 = lax.broadcasted_iota(_i32, (B, N), 1)
    lane2 = lax.broadcasted_iota(_i32, (B, S), 1)
    mask0 = (iota2 == 0).astype(_f32)

    def body(i, state):
        dist, mask, cent = state
        cs = [jax.lax.dot_general(
                  xt[b], mask[b:b + 1], (((1,), (1,)), ((), ())),
                  preferred_element_type=_f32)[None]
              for b in range(B)]
        c = jnp.concatenate(cs, axis=0)
        sq = xt - c
        d = jnp.sum(sq * sq, axis=1)
        dist = jnp.minimum(dist, d)
        m2 = jnp.max(dist, axis=1, keepdims=True)
        cand = jnp.where(dist == m2, iota2, jnp.int32(N))
        idxv = jnp.min(cand, axis=1, keepdims=True)
        cent = jnp.where(lane2 == i + 1, idxv, cent)
        mask = (iota2 == idxv).astype(_f32)
        return dist, mask, cent

    init = (jnp.full((B, N), 1e10, _f32), mask0, jnp.zeros((B, S), _i32))
    _, _, cent = lax.fori_loop(0, S, body, init)
    out_ref[...] = cent[:, None, :]


def _run_fps_t(combined_t):
    return pl.pallas_call(
        _fps_body_t,
        grid=(1,),
        in_specs=[pl.BlockSpec((B, C0, N), lambda i: (0, 0, 0))],
        out_specs=pl.BlockSpec((B, 1, S), lambda i: (0, 0, 0)),
        out_shape=jax.ShapeDtypeStruct((B, 1, S), _i32),
    )(combined_t)


def _knn_body(c_ref, fps_ref, q_ref, idx_ref):
    cb = c_ref[0]
    fps = fps_ref[0, 0, :]
    onehot = (fps[:, None] ==
              lax.broadcasted_iota(_i32, (S, N), 1)).astype(_f32)
    q = jax.lax.dot_general(onehot, cb, (((1,), (0,)), ((), ())),
                            preferred_element_type=_f32)
    q_ref[0] = q
    qf, qx = q[:, 3:23], q[:, 0:3]
    cf, cx = cb[:, 3:23], cb[:, 0:3]
    d1 = -2.0 * jax.lax.dot_general(qf, cf, (((1,), (1,)), ((), ())),
                                    preferred_element_type=_f32)
    d1 = d1 + jnp.sum(qf * qf, axis=1)[:, None]
    d1 = d1 + jnp.sum(cf * cf, axis=1)[None, :]
    d2 = -2.0 * jax.lax.dot_general(qx, cx, (((1,), (1,)), ((), ())),
                                    preferred_element_type=_f32)
    d2 = d2 + jnp.sum(qx * qx, axis=1)[:, None]
    d2 = d2 + jnp.sum(cx * cx, axis=1)[None, :]
    dist = d1 + d2
    off = pl.program_id(0) * N
    lane_n = lax.broadcasted_iota(_i32, (S, N), 1)
    cols = []
    for _ in range(K):
        m = jnp.argmin(dist, axis=1).astype(_i32)
        cols.append(m + off)
        dist = jnp.where(lane_n == m[:, None], 1e30, dist)
    idx_ref[0] = jnp.stack(cols, axis=1)


def _run_knn(combined, fps):
    return pl.pallas_call(
        _knn_body,
        grid=(B,),
        in_specs=[
            pl.BlockSpec((1, N, C0), lambda b: (b, 0, 0)),
            pl.BlockSpec((1, 1, S), lambda b: (b, 0, 0)),
        ],
        out_specs=[
            pl.BlockSpec((1, S, C0), lambda b: (b, 0, 0)),
            pl.BlockSpec((1, S, K), lambda b: (b, 0, 0)),
        ],
        out_shape=[
            jax.ShapeDtypeStruct((B, S, C0), _f32),
            jax.ShapeDtypeStruct((B, S, K), _i32),
        ],
    )(combined, fps)


def _sc_gather(table, idx):
    info = plsc.get_sparse_core_info()
    nw = info.num_cores * info.num_subcores
    b_per_w = ROWS // nw
    chunk = 512
    nchunks = b_per_w // chunk
    mesh = plsc.VectorSubcoreMesh(core_axis_name="c", subcore_axis_name="s")

    @functools.partial(
        pl.kernel,
        mesh=mesh,
        out_type=jax.ShapeDtypeStruct((ROWS, CT), _f32),
        scratch_types=[
            pltpu.VMEM((chunk,), _i32),
            pltpu.VMEM((chunk, CT), _f32),
            pltpu.SemaphoreType.DMA,
        ],
    )
    def gather_k(table_hbm, idx_hbm, out_hbm, idx_v, rows_v, sem):
        wid = lax.axis_index("s") * info.num_cores + lax.axis_index("c")
        base = wid * b_per_w

        def body(ci, carry):
            off = base + ci * chunk
            pltpu.sync_copy(idx_hbm.at[pl.ds(off, chunk)], idx_v)
            pltpu.async_copy(table_hbm.at[idx_v], rows_v, sem).wait()
            pltpu.sync_copy(rows_v, out_hbm.at[pl.ds(off, chunk)])
            return carry

        lax.fori_loop(0, nchunks, body, 0)

    return gather_k(table, idx)


def _l0_body(g_ref, qc_ref, wg_ref, wq_ref, p_ref, y_ref, s0_ref, s2_ref):
    g = g_ref[...]
    qc = qc_ref[...]
    y = jax.lax.dot_general(g, wg_ref[...], (((1,), (1,)), ((), ())),
                            preferred_element_type=_f32)
    y = y + jax.lax.dot_general(qc, wq_ref[...], (((1,), (1,)), ((), ())),
                                preferred_element_type=_f32)
    gx = g[:, 0:3] - qc[:, 0:3]
    sq = jnp.sum(gx * gx, axis=1)
    nrm = jnp.where(sq > 0, jnp.sqrt(jnp.where(sq > 0, sq, 1.0)), 0.0)
    y = y + nrm[:, None] * p_ref[0:1, :] + p_ref[1:2, :]
    y_ref[...] = y

    @pl.when(pl.program_id(0) == 0)
    def _():
        s0_ref[...] = jnp.zeros_like(s0_ref)
        s2_ref[...] = jnp.zeros_like(s2_ref)

    s0_ref[...] += jnp.sum(y, axis=0)[None, None, :]
    s2_ref[...] += jnp.sum(y * y, axis=0)[None, None, :]


def _run_l0(g, qc, wg, wq, p0):
    return pl.pallas_call(
        _l0_body,
        grid=(NSTEP,),
        in_specs=[
            pl.BlockSpec((RT, CT), lambda i: (i, 0)),
            pl.BlockSpec((RT, C0), lambda i: (i, 0)),
            pl.BlockSpec((64, CT), lambda i: (0, 0)),
            pl.BlockSpec((64, C0), lambda i: (0, 0)),
            pl.BlockSpec((8, 64), lambda i: (0, 0)),
        ],
        out_specs=[
            pl.BlockSpec((RT, 64), lambda i: (i, 0)),
            pl.BlockSpec((1, 1, 64), lambda i: (0, 0, 0)),
            pl.BlockSpec((1, 1, 64), lambda i: (0, 0, 0)),
        ],
        out_shape=[
            jax.ShapeDtypeStruct((ROWS, 64), _f32),
            jax.ShapeDtypeStruct((1, 1, 64), _f32),
            jax.ShapeDtypeStruct((1, 1, 64), _f32),
        ],
    )(g, qc, wg, wq, p0)


def _mid_body(y_ref, w_ref, p_ref, o_ref, s0_ref, s2_ref):
    z = jnp.maximum(y_ref[...] * p_ref[0:1, 0:64] + p_ref[1:2, 0:64], 0.0)
    y = jax.lax.dot_general(z, w_ref[...], (((1,), (1,)), ((), ())),
                            preferred_element_type=_f32)
    y = y + p_ref[2:3, 0:w_ref.shape[0]]
    o_ref[...] = y

    @pl.when(pl.program_id(0) == 0)
    def _():
        s0_ref[...] = jnp.zeros_like(s0_ref)
        s2_ref[...] = jnp.zeros_like(s2_ref)

    s0_ref[...] += jnp.sum(y, axis=0)[None, None, :]
    s2_ref[...] += jnp.sum(y * y, axis=0)[None, None, :]


def _run_mid(y, w, p, out_ch):
    return pl.pallas_call(
        _mid_body,
        grid=(NSTEP,),
        in_specs=[
            pl.BlockSpec((RT, 64), lambda i: (i, 0)),
            pl.BlockSpec((out_ch, 64), lambda i: (0, 0)),
            pl.BlockSpec((8, 128), lambda i: (0, 0)),
        ],
        out_specs=[
            pl.BlockSpec((RT, out_ch), lambda i: (i, 0)),
            pl.BlockSpec((1, 1, out_ch), lambda i: (0, 0, 0)),
            pl.BlockSpec((1, 1, out_ch), lambda i: (0, 0, 0)),
        ],
        out_shape=[
            jax.ShapeDtypeStruct((ROWS, out_ch), _f32),
            jax.ShapeDtypeStruct((1, 1, out_ch), _f32),
            jax.ShapeDtypeStruct((1, 1, out_ch), _f32),
        ],
    )(y, w, p)


def _last_body(y_ref, w_ref, p_ref, mx_ref, mn_ref, s0_ref, s2_ref):
    z = jnp.maximum(y_ref[...] * p_ref[0:1, 0:64] + p_ref[1:2, 0:64], 0.0)
    y = jax.lax.dot_general(z, w_ref[...], (((1,), (1,)), ((), ())),
                            preferred_element_type=_f32)
    y = y + p_ref[2:3, :]
    y3 = y.reshape(RT // K, K, 128)
    mx_ref[...] = jnp.max(y3, axis=1)
    mn_ref[...] = jnp.min(y3, axis=1)

    @pl.when(pl.program_id(0) == 0)
    def _():
        s0_ref[...] = jnp.zeros_like(s0_ref)
        s2_ref[...] = jnp.zeros_like(s2_ref)

    s0_ref[...] += jnp.sum(y, axis=0)[None, None, :]
    s2_ref[...] += jnp.sum(y * y, axis=0)[None, None, :]


def _run_last(y, w, p):
    return pl.pallas_call(
        _last_body,
        grid=(NSTEP,),
        in_specs=[
            pl.BlockSpec((RT, 64), lambda i: (i, 0)),
            pl.BlockSpec((128, 64), lambda i: (0, 0)),
            pl.BlockSpec((8, 128), lambda i: (0, 0)),
        ],
        out_specs=[
            pl.BlockSpec((RT // K, 128), lambda i: (i, 0)),
            pl.BlockSpec((RT // K, 128), lambda i: (i, 0)),
            pl.BlockSpec((1, 1, 128), lambda i: (0, 0, 0)),
            pl.BlockSpec((1, 1, 128), lambda i: (0, 0, 0)),
        ],
        out_shape=[
            jax.ShapeDtypeStruct((B * S, 128), _f32),
            jax.ShapeDtypeStruct((B * S, 128), _f32),
            jax.ShapeDtypeStruct((1, 1, 128), _f32),
            jax.ShapeDtypeStruct((1, 1, 128), _f32),
        ],
    )(y, w, p)


def _fin_body(mx_ref, mn_ref, p_ref, o_ref):
    a = p_ref[0:1, :]
    c = p_ref[1:2, :]
    pick = jnp.where(a > 0, mx_ref[...], mn_ref[...])
    o_ref[...] = jnp.maximum(pick * a + c, 0.0)


def _run_fin(mx, mn, p):
    return pl.pallas_call(
        _fin_body,
        grid=(1,),
        in_specs=[
            pl.BlockSpec((B * S, 128), lambda i: (0, 0)),
            pl.BlockSpec((B * S, 128), lambda i: (0, 0)),
            pl.BlockSpec((8, 128), lambda i: (0, 0)),
        ],
        out_specs=pl.BlockSpec((B * S, 128), lambda i: (0, 0)),
        out_shape=jax.ShapeDtypeStruct((B * S, 128), _f32),
    )(mx, mn, p)


def _bn_affine(s0, s2, g, beta):
    mean = s0.reshape(-1) / ROWS
    var = s2.reshape(-1) / ROWS - mean * mean
    a = g / jnp.sqrt(var + 1e-5)
    return a, beta - mean * a


def kernel(xyz, feature, points, W0, b0, g0, beta0, W1, b1, g1, beta1,
           W2, b2, g2, beta2):
    xyz_t = jnp.transpose(xyz, (0, 2, 1))
    pts_t = jnp.transpose(points, (0, 2, 1))
    combined = jnp.concatenate(
        [xyz_t, feature, jnp.zeros((B, N, 1), _f32)], axis=-1)

    fps = _run_fps_t(jnp.transpose(combined, (0, 2, 1)))
    qfull, gidx = _run_knn(combined, fps)

    table = jnp.concatenate(
        [xyz_t, feature, pts_t, jnp.zeros((B, N, CT - 87), _f32)],
        axis=-1).reshape(B * N, CT)
    g = _sc_gather(table, gidx.reshape(ROWS))

    qc = jnp.repeat(qfull.reshape(B * S, C0), K, axis=0)

    wg = jnp.concatenate(
        [W0[:, 0:3], W0[:, 4:24], W0[:, 24:88],
         jnp.zeros((64, CT - 87), _f32)], axis=1)
    wq = jnp.concatenate(
        [-W0[:, 0:3], -W0[:, 4:24], jnp.zeros((64, 1), _f32)],
        axis=1)
    p0 = jnp.zeros((8, 64), _f32).at[0].set(W0[:, 3]).at[1].set(b0)

    y0, s0a, s0b = _run_l0(g, qc, wg, wq, p0)
    a0, c0 = _bn_affine(s0a, s0b, g0, beta0)

    p1 = (jnp.zeros((8, 128), _f32)
          .at[0, 0:64].set(a0).at[1, 0:64].set(c0).at[2, 0:64].set(b1))
    y1, s1a, s1b = _run_mid(y0, W1, p1, 64)
    a1, c1 = _bn_affine(s1a, s1b, g1, beta1)

    p2 = (jnp.zeros((8, 128), _f32)
          .at[0, 0:64].set(a1).at[1, 0:64].set(c1).at[2, 0:128].set(b2))
    mx, mn, s2a, s2b = _run_last(y1, W2, p2)
    a2, c2 = _bn_affine(s2a, s2b, g2, beta2)

    p3 = jnp.zeros((8, 128), _f32).at[0].set(a2).at[1].set(c2)
    pooled = _run_fin(mx, mn, p3)

    new_xyz = jnp.transpose(qfull[:, :, 0:3], (0, 2, 1))
    new_bin_map = qfull[:, :, 3:23]
    new_points_out = jnp.transpose(pooled.reshape(B, S, 128), (0, 2, 1))
    return new_xyz, new_points_out, new_bin_map

# --- scband reference (transcript-rebuilt; emitter-appended) ---
"""Pipeline reference for scband-point-net-set-abstraction-75969381532365 (READ-ONLY COPY).

The authoritative reference and input builder live on the scoring server;
editing this copy changes nothing except your own understanding.
"""

import jax, jax.numpy as jnp
import numpy as np
from jax import lax

B, N, NPOINT, NSAMPLE = 8, 2048, 512, 32
D_FEAT, D_POINTS = 20, 64
MLP = [64, 64, 128]
IN_CH = 3 + 1 + D_FEAT + D_POINTS  # 88 = in_channel + 3 + 20 + 1 for layer '2'


def index_points(points, idx):
    b = points.shape[0]
    if idx.ndim == 2:
        return points[jnp.arange(b)[:, None], idx]
    return points[jnp.arange(b)[:, None, None], idx]


def square_distance(src, dst):
    dist = -2.0 * jnp.matmul(src, jnp.swapaxes(dst, 1, 2))
    dist = dist + jnp.sum(src ** 2, -1)[:, :, None]
    dist = dist + jnp.sum(dst ** 2, -1)[:, None, :]
    return dist


def farthest_point_sample(xyz, npoint):
    b, n, c = xyz.shape
    def body(i, state):
        centroids, distance, farthest = state
        centroids = centroids.at[:, i].set(farthest)
        centroid = xyz[jnp.arange(b), farthest][:, None, :]
        dist = jnp.sum((xyz - centroid) ** 2, -1)
        distance = jnp.minimum(distance, dist)
        farthest = jnp.argmax(distance, -1).astype(jnp.int32)
        return (centroids, distance, farthest)
    init = (jnp.zeros((b, npoint), jnp.int32),
            jnp.full((b, n), 1e10, xyz.dtype),
            jnp.zeros((b,), jnp.int32))
    centroids, _, _ = lax.fori_loop(0, npoint, body, init)
    return centroids


def safe_norm(x):
    sq = jnp.sum(x * x, axis=-1)
    safe = jnp.where(sq > 0, sq, 1.0)
    return jnp.where(sq > 0, jnp.sqrt(safe), 0.0)


def setup_inputs(seed: int = 0):
    key = jax.random.key(seed)
    ks = jax.random.split(key, 16)
    inp = {}
    inp['xyz'] = jax.random.normal(ks[0], (B, 3, N), jnp.float32)
    inp['feature'] = jax.random.uniform(ks[1], (B, N, D_FEAT), jnp.float32)
    inp['points'] = jax.random.normal(ks[2], (B, D_POINTS, N), jnp.float32)
    last = IN_CH
    for i, out_ch in enumerate(MLP):
        inp['W%d' % i] = jax.random.normal(ks[3 + i], (out_ch, last), jnp.float32) * (1.0 / np.sqrt(last))
        inp['b%d' % i] = jnp.zeros((out_ch,), jnp.float32)
        inp['g%d' % i] = jnp.ones((out_ch,), jnp.float32)
        inp['beta%d' % i] = jnp.zeros((out_ch,), jnp.float32)
        last = out_ch
    return inp


def _indices(xyz, feature):
    xyz_t = jnp.transpose(xyz, (0, 2, 1))
    combined = jnp.concatenate([xyz_t, feature], axis=-1)
    fps_idx = farthest_point_sample(combined, NPOINT)
    new_bin_map = index_points(feature, fps_idx)
    new_xyz = index_points(xyz_t, fps_idx)
    sqrdists = square_distance(new_bin_map, feature) + square_distance(new_xyz, xyz_t)
    idx = jnp.argsort(sqrdists, axis=-1)[:, :, :NSAMPLE]
    return fps_idx, idx


def _forward(xyz, feature, points, params, fps_idx, idx):
    xyz_t = jnp.transpose(xyz, (0, 2, 1))
    pts = jnp.transpose(points, (0, 2, 1))
    new_bin_map = index_points(feature, fps_idx)
    new_xyz = index_points(xyz_t, fps_idx)
    grouped_xyz = index_points(xyz_t, idx)
    grouped_feature = index_points(feature, idx)
    grouped_pts = index_points(pts, idx)
    gx = grouped_xyz - new_xyz[:, :, None, :]
    gd = grouped_feature - new_bin_map[:, :, None, :]
    nrm = safe_norm(gx)[..., None]
    new_points = jnp.concatenate([gx, nrm, gd, grouped_pts], axis=-1)
    x = jnp.transpose(new_points, (0, 3, 2, 1))  # [B, C, nsample, S]
    for (W, b_, g, be) in params:
        x = jnp.einsum('oc,bcns->bons', W, x) + b_[None, :, None, None]
        mean = jnp.mean(x, axis=(0, 2, 3), keepdims=True)
        var = jnp.mean((x - mean) ** 2, axis=(0, 2, 3), keepdims=True)
        x = (x - mean) / jnp.sqrt(var + 1e-5) * g[None, :, None, None] + be[None, :, None, None]
        x = jax.nn.relu(x)
    new_points_out = jnp.max(x, axis=2)
    return (jnp.transpose(new_xyz, (0, 2, 1)), new_points_out, new_bin_map)


def reference(xyz, feature, points, W0, b0, g0, beta0, W1, b1, g1, beta1, W2, b2, g2, beta2):
    fps_idx, idx = _indices(xyz, feature)
    params = [(W0, b0, g0, beta0), (W1, b1, g1, beta1), (W2, b2, g2, beta2)]
    return _forward(xyz, feature, points, params, fps_idx, idx)

if __name__ == "__main__":
    import jax
    _d = setup_inputs()
    print(jax.jit(kernel)(*tuple(_d.values())))

</pallas_src>

<mosaic_0001>
#map = affine_map<(d0, d1) -> (0, 0)>
#map1 = affine_map<(d0, d1) -> (0)>
module attributes {stable_mosaic.version = 14 : i64} {
  func.func @gather_k(%arg0: i32, %arg1: i32, %arg2: memref<16384x128xf32, #tpu.memory_space<hbm>>, %arg3: memref<131072xi32, #tpu.memory_space<hbm>>, %arg4: memref<131072x128xf32, #tpu.memory_space<hbm>>, %arg5: memref<512xi32, #tpu.memory_space<vmem>>, %arg6: memref<512x128xf32, #tpu.memory_space<vmem>>, %arg7: memref<!tpu.dma_semaphore, #tpu.memory_space<semaphore_mem>>) attributes {dimension_semantics = [#tpu.dimension_semantics<core_parallel>, #tpu.dimension_semantics<subcore_parallel>], iteration_bounds = array<i64: 2, 16>, scalar_prefetch = 0 : i64, scratch_operands = 3 : i64, tpu.core_type = #tpu.core_type<sc_vector_subcore>, window_params = [{transform_indices = #map}, {transform_indices = #map1}, {transform_indices = #map}]} {
    %mul3A = arith.constant 2 : i32
    %mul3A_0 = arith.muli %arg1, %mul3A : i32
    %add3A = arith.addi %mul3A_0, %arg0 : i32
    %mul3A_1 = arith.constant 4096 : i32
    %mul3A_2 = arith.muli %add3A, %mul3A_1 : i32
    %scan3A = arith.constant 0 : i32
    %scan3A_3 = arith.constant 0 : i32
    %scan3A_4 = arith.constant 8 : i32
    %scan3A_5 = arith.addi %scan3A_3, %scan3A_4 : i32
    %scan3A_6 = arith.constant 1 : i32
    scf.for %scan3A_8 = %scan3A_3 to %scan3A_5 step %scan3A_6  : i32 {
      %mul3A_9 = arith.constant 512 : i32
      %mul3A_10 = arith.muli %scan3A_8, %mul3A_9 : i32
      %add3A_11 = arith.addi %mul3A_2, %mul3A_10 : i32
      "tpu.region"() ({
        %run_scoped3A = tpu.sem_alloc : memref<!tpu.dma_semaphore, #tpu.memory_space<semaphore_mem>>
        %dma_start3A_16 = tpu.memref_slice %arg3[%add3A_11] : memref<131072xi32, #tpu.memory_space<hbm>> -> memref<512xi32, #tpu.memory_space<hbm>>
        %dma_start3A_17 = tpu.memref_slice %arg3[%add3A_11] : memref<131072xi32, #tpu.memory_space<hbm>> -> memref<512xi32, #tpu.memory_space<hbm>>
        tpu.enqueue_dma source(%dma_start3A_17 : memref<512xi32, #tpu.memory_space<hbm>>) target(%arg5 : memref<512xi32, #tpu.memory_space<vmem>>) target_semaphore(%run_scoped3A : memref<!tpu.dma_semaphore, #tpu.memory_space<semaphore_mem>>)
        %dma_wait3A_18 = tpu.memref_slice %arg3[%add3A_11] : memref<131072xi32, #tpu.memory_space<hbm>> -> memref<512xi32, #tpu.memory_space<hbm>>
        %dma_wait3A_19 = tpu.memref_slice %arg3[%add3A_11] : memref<131072xi32, #tpu.memory_space<hbm>> -> memref<512xi32, #tpu.memory_space<hbm>>
        tpu.wait_dma2 semaphore(%run_scoped3A : memref<!tpu.dma_semaphore, #tpu.memory_space<semaphore_mem>>) src(%dma_wait3A_19 : memref<512xi32, #tpu.memory_space<hbm>>) dst(%arg5 : memref<512xi32, #tpu.memory_space<vmem>>)
        tpu.yield
      }) : () -> ()
      %dma_start3A = arith.constant 0 : i32
      %dma_start3A_12 = arith.constant 0 : i32
      %dma_start3A_13 = tpu.memref_slice %arg2[%dma_start3A, %dma_start3A_12] : memref<16384x128xf32, #tpu.memory_space<hbm>> -> memref<16384x128xf32, #tpu.memory_space<hbm>>
      tpu.enqueue_indirect_dma source(%dma_start3A_13 : memref<16384x128xf32, #tpu.memory_space<hbm>>) target(%arg6 : memref<512x128xf32, #tpu.memory_space<vmem>>) offsets(%arg5 : memref<512xi32, #tpu.memory_space<vmem>>) semaphore(%arg7 : memref<!tpu.dma_semaphore, #tpu.memory_space<semaphore_mem>>)
      %dma_wait3A = arith.constant 0 : i32
      %dma_wait3A_14 = arith.constant 0 : i32
      %dma_wait3A_15 = tpu.memref_slice %arg2[%dma_wait3A, %dma_wait3A_14] : memref<16384x128xf32, #tpu.memory_space<hbm>> -> memref<16384x128xf32, #tpu.memory_space<hbm>>
      tpu.wait_indirect_dma semaphore(%arg7 : memref<!tpu.dma_semaphore, #tpu.memory_space<semaphore_mem>>) src(%dma_wait3A_15 : memref<16384x128xf32, #tpu.memory_space<hbm>>) dst(%arg6 : memref<512x128xf32, #tpu.memory_space<vmem>>)
      "tpu.region"() ({
        %run_scoped3A = tpu.sem_alloc : memref<!tpu.dma_semaphore, #tpu.memory_space<semaphore_mem>>
        %dma_start3A_16 = arith.constant 0 : i32
        %dma_start3A_17 = tpu.memref_slice %arg4[%add3A_11, %dma_start3A_16] : memref<131072x128xf32, #tpu.memory_space<hbm>> -> memref<512x128xf32, #tpu.memory_space<hbm>>
        %dma_start3A_18 = arith.constant 0 : i32
        %dma_start3A_19 = tpu.memref_slice %arg4[%add3A_11, %dma_start3A_18] : memref<131072x128xf32, #tpu.memory_space<hbm>> -> memref<512x128xf32, #tpu.memory_space<hbm>>
        tpu.enqueue_dma source(%arg6 : memref<512x128xf32, #tpu.memory_space<vmem>>) target(%dma_start3A_19 : memref<512x128xf32, #tpu.memory_space<hbm>>) target_semaphore(%run_scoped3A : memref<!tpu.dma_semaphore, #tpu.memory_space<semaphore_mem>>)
        %dma_wait3A_20 = arith.constant 0 : i32
        %dma_wait3A_21 = tpu.memref_slice %arg4[%add3A_11, %dma_wait3A_20] : memref<131072x128xf32, #tpu.memory_space<hbm>> -> memref<512x128xf32, #tpu.memory_space<hbm>>
        %dma_wait3A_22 = arith.constant 0 : i32
        %dma_wait3A_23 = tpu.memref_slice %arg4[%add3A_11, %dma_wait3A_22] : memref<131072x128xf32, #tpu.memory_space<hbm>> -> memref<512x128xf32, #tpu.memory_space<hbm>>
        tpu.wait_dma2 semaphore(%run_scoped3A : memref<!tpu.dma_semaphore, #tpu.memory_space<semaphore_mem>>) src(%arg6 : memref<512x128xf32, #tpu.memory_space<vmem>>) dst(%dma_wait3A_23 : memref<512x128xf32, #tpu.memory_space<hbm>>)
        tpu.yield
      }) : () -> ()
    }
    %scan3A_7 = arith.constant 8 : i32
    return
  }
}

module attributes {stable_mosaic.version = 14 : i64} {
  func.func @_fps_body_t(%arg0: i32, %arg1: memref<8x24x2048xf32, #tpu.memory_space<vmem>>, %arg2: memref<8x1x512xi32, #tpu.memory_space<vmem>>) attributes {dimension_semantics = [#tpu.dimension_semantics<arbitrary>], iteration_bounds = array<i64: 1>, scalar_prefetch = 0 : i64, scratch_operands = 0 : i64, tpu.core_type = #tpu.core_type<tc>, window_params = [{pipeline_mode = #tpu.pipeline_mode<synchronous>, transform_indices = @transform_0, window_bounds = array<i64: 8, 24, 2048>}, {pipeline_mode = #tpu.pipeline_mode<synchronous>, transform_indices = @transform_1, window_bounds = array<i64: 8, 1, 512>}]} {
    %get3A = arith.constant 0 : index
    %get3A_0 = arith.constant 0 : index
    %get3A_1 = arith.constant 0 : index
    %get3A_2 = vector.load %arg1[%get3A, %get3A_0, %get3A_1] : memref<8x24x2048xf32, #tpu.memory_space<vmem>>, vector<8x24x2048xf32>
    %iota3A = tpu.iota {dimensions = array<i32: 1>} : vector<8x2048xi32>
    %iota3A_3 = tpu.iota {dimensions = array<i32: 1>} : vector<8x512xi32>
    %eq3A = arith.constant 0 : i32
    %eq3A_4 = vector.broadcast %eq3A : i32 to vector<8x2048xi32>
    %eq3A_5 = arith.cmpi eq, %iota3A, %eq3A_4 : vector<8x2048xi32>
    %convert_element_type3A = arith.extui %eq3A_5 : vector<8x2048xi1> to vector<8x2048xi32>
    %convert_element_type3A_6 = arith.sitofp %convert_element_type3A : vector<8x2048xi32> to vector<8x2048xf32>
    %broadcast_in_dim3A = arith.constant 1.000000e+10 : f32
    %broadcast_in_dim3A_7 = vector.broadcast %broadcast_in_dim3A : f32 to vector<8x2048xf32>
    %broadcast_in_dim3A_8 = arith.constant 0 : i32
    %broadcast_in_dim3A_9 = vector.broadcast %broadcast_in_dim3A_8 : i32 to vector<8x512xi32>
    %scan3A = arith.constant 0 : i32
    %scan3A_10 = arith.constant 512 : i32
    %scan3A_11 = arith.addi %scan3A, %scan3A_10 : i32
    %scan3A_12 = arith.constant 1 : i32
    %scan3A_13:3 = scf.for %scan3A_19 = %scan3A to %scan3A_11 step %scan3A_12 iter_args(%scan3A_20 = %broadcast_in_dim3A_7, %scan3A_21 = %convert_element_type3A_6, %scan3A_22 = %broadcast_in_dim3A_9) -> (vector<8x2048xf32>, vector<8x2048xf32>, vector<8x512xi32>)  : i32 {
      %slice3A = vector.extract_strided_slice %get3A_2 {offsets = [0, 0, 0], sizes = [1, 24, 2048], strides = [1, 1, 1]} : vector<8x24x2048xf32> to vector<1x24x2048xf32>
      %squeeze3A = vector.shape_cast %slice3A : vector<1x24x2048xf32> to vector<24x2048xf32>
      %slice3A_23 = vector.extract_strided_slice %scan3A_21 {offsets = [0, 0], sizes = [1, 2048], strides = [1, 1]} : vector<8x2048xf32> to vector<1x2048xf32>
      %dot_general3A = arith.constant dense<0.000000e+00> : vector<24x1xf32>
      %dot_general3A_24 = tpu.matmul %squeeze3A, %slice3A_23, %dot_general3A {dimension_numbers = #tpu.dot_dimension_numbers<[1], [1], [0], [0], [0, 0, 1, 0], [], []>, transpose_lhs_hint = false} : vector<24x2048xf32>, vector<1x2048xf32>, vector<24x1xf32> -> vector<24x1xf32>
      %broadcast_in_dim3A_25 = vector.shape_cast %dot_general3A_24 : vector<24x1xf32> to vector<1x24x1xf32>
      %slice3A_26 = vector.extract_strided_slice %get3A_2 {offsets = [1, 0, 0], sizes = [1, 24, 2048], strides = [1, 1, 1]} : vector<8x24x2048xf32> to vector<1x24x2048xf32>
      %squeeze3A_27 = vector.shape_cast %slice3A_26 : vector<1x24x2048xf32> to vector<24x2048xf32>
      %slice3A_28 = vector.extract_strided_slice %scan3A_21 {offsets = [1, 0], sizes = [1, 2048], strides = [1, 1]} : vector<8x2048xf32> to vector<1x2048xf32>
      %dot_general3A_29 = arith.constant dense<0.000000e+00> : vector<24x1xf32>
      %dot_general3A_30 = tpu.matmul %squeeze3A_27, %slice3A_28, %dot_general3A_29 {dimension_numbers = #tpu.dot_dimension_numbers<[1], [1], [0], [0], [0, 0, 1, 0], [], []>, transpose_lhs_hint = false} : vector<24x2048xf32>, vector<1x2048xf32>, vector<24x1xf32> -> vector<24x1xf32>
      %broadcast_in_dim3A_31 = vector.shape_cast %dot_general3A_30 : vector<24x1xf32> to vector<1x24x1xf32>
      %slice3A_32 = vector.extract_strided_slice %get3A_2 {offsets = [2, 0, 0], sizes = [1, 24, 2048], strides = [1, 1, 1]} : vector<8x24x2048xf32> to vector<1x24x2048xf32>
      %squeeze3A_33 = vector.shape_cast %slice3A_32 : vector<1x24x2048xf32> to vector<24x2048xf32>
      %slice3A_34 = vector.extract_strided_slice %scan3A_21 {offsets = [2, 0], sizes = [1, 2048], strides = [1, 1]} : vector<8x2048xf32> to vector<1x2048xf32>
      %dot_general3A_35 = arith.constant dense<0.000000e+00> : vector<24x1xf32>
      %dot_general3A_36 = tpu.matmul %squeeze3A_33, %slice3A_34, %dot_general3A_35 {dimension_numbers = #tpu.dot_dimension_numbers<[1], [1], [0], [0], [0, 0, 1, 0], [], []>, transpose_lhs_hint = false} : vector<24x2048xf32>, vector<1x2048xf32>, vector<24x1xf32> -> vector<24x1xf32>
      %broadcast_in_dim3A_37 = vector.shape_cast %dot_general3A_36 : vector<24x1xf32> to vector<1x24x1xf32>
      %slice3A_38 = vector.extract_strided_slice %get3A_2 {offsets = [3, 0, 0], sizes = [1, 24, 2048], strides = [1, 1, 1]} : vector<8x24x2048xf32> to vector<1x24x2048xf32>
      %squeeze3A_39 = vector.shape_cast %slice3A_38 : vector<1x24x2048xf32> to vector<24x2048xf32>
      %slice3A_40 = vector.extract_strided_slice %scan3A_21 {offsets = [3, 0], sizes = [1, 2048], strides = [1, 1]} : vector<8x2048xf32> to vector<1x2048xf32>
      %dot_general3A_41 = arith.constant dense<0.000000e+00> : vector<24x1xf32>
      %dot_general3A_42 = tpu.matmul %squeeze3A_39, %slice3A_40, %dot_general3A_41 {dimension_numbers = #tpu.dot_dimension_numbers<[1], [1], [0], [0], [0, 0, 1, 0], [], []>, transpose_lhs_hint = false} : vector<24x2048xf32>, vector<1x2048xf32>, vector<24x1xf32> -> vector<24x1xf32>
      %broadcast_in_dim3A_43 = vector.shape_cast %dot_general3A_42 : vector<24x1xf32> to vector<1x24x1xf32>
      %slice3A_44 = vector.extract_strided_slice %get3A_2 {offsets = [4, 0, 0], sizes = [1, 24, 2048], strides = [1, 1, 1]} : vector<8x24x2048xf32> to vector<1x24x2048xf32>
      %squeeze3A_45 = vector.shape_cast %slice3A_44 : vector<1x24x2048xf32> to vector<24x2048xf32>
      %slice3A_46 = vector.extract_strided_slice %scan3A_21 {offsets = [4, 0], sizes = [1, 2048], strides = [1, 1]} : vector<8x2048xf32> to vector<1x2048xf32>
      %dot_general3A_47 = arith.constant dense<0.000000e+00> : vector<24x1xf32>
      %dot_general3A_48 = tpu.matmul %squeeze3A_45, %slice3A_46, %dot_general3A_47 {dimension_numbers = #tpu.dot_dimension_numbers<[1], [1], [0], [0], [0, 0, 1, 0], [], []>, transpose_lhs_hint = false} : vector<24x2048xf32>, vector<1x2048xf32>, vector<24x1xf32> -> vector<24x1xf32>
      %broadcast_in_dim3A_49 = vector.shape_cast %dot_general3A_48 : vector<24x1xf32> to vector<1x24x1xf32>
      %slice3A_50 = vector.extract_strided_slice %get3A_2 {offsets = [5, 0, 0], sizes = [1, 24, 2048], strides = [1, 1, 1]} : vector<8x24x2048xf32> to vector<1x24x2048xf32>
      %squeeze3A_51 = vector.shape_cast %slice3A_50 : vector<1x24x2048xf32> to vector<24x2048xf32>
      %slice3A_52 = vector.extract_strided_slice %scan3A_21 {offsets = [5, 0], sizes = [1, 2048], strides = [1, 1]} : vector<8x2048xf32> to vector<1x2048xf32>
      %dot_general3A_53 = arith.constant dense<0.000000e+00> : vector<24x1xf32>
      %dot_general3A_54 = tpu.matmul %squeeze3A_51, %slice3A_52, %dot_general3A_53 {dimension_numbers = #tpu.dot_dimension_numbers<[1], [1], [0], [0], [0, 0, 1, 0], [], []>, transpose_lhs_hint = false} : vector<24x2048xf32>, vector<1x2048xf32>, vector<24x1xf32> -> vector<24x1xf32>
      %broadcast_in_dim3A_55 = vector.shape_cast %dot_general3A_54 : vector<24x1xf32> to vector<1x24x1xf32>
      %slice3A_56 = vector.extract_strided_slice %get3A_2 {offsets = [6, 0, 0], sizes = [1, 24, 2048], strides = [1, 1, 1]} : vector<8x24x2048xf32> to vector<1x24x2048xf32>
      %squeeze3A_57 = vector.shape_cast %slice3A_56 : vector<1x24x2048xf32> to vector<24x2048xf32>
      %slice3A_58 = vector.extract_strided_slice %scan3A_21 {offsets = [6, 0], sizes = [1, 2048], strides = [1, 1]} : vector<8x2048xf32> to vector<1x2048xf32>
      %dot_general3A_59 = arith.constant dense<0.000000e+00> : vector<24x1xf32>
      %dot_general3A_60 = tpu.matmul %squeeze3A_57, %slice3A_58, %dot_general3A_59 {dimension_numbers = #tpu.dot_dimension_numbers<[1], [1], [0], [0], [0, 0, 1, 0], [], []>, transpose_lhs_hint = false} : vector<24x2048xf32>, vector<1x2048xf32>, vector<24x1xf32> -> vector<24x1xf32>
      %broadcast_in_dim3A_61 = vector.shape_cast %dot_general3A_60 : vector<24x1xf32> to vector<1x24x1xf32>
      %slice3A_62 = vector.extract_strided_slice %get3A_2 {offsets = [7, 0, 0], sizes = [1, 24, 2048], strides = [1, 1, 1]} : vector<8x24x2048xf32> to vector<1x24x2048xf32>
      %squeeze3A_63 = vector.shape_cast %slice3A_62 : vector<1x24x2048xf32> to vector<24x2048xf32>
      %slice3A_64 = vector.extract_strided_slice %scan3A_21 {offsets = [7, 0], sizes = [1, 2048], strides = [1, 1]} : vector<8x2048xf32> to vector<1x2048xf32>
      %dot_general3A_65 = arith.constant dense<0.000000e+00> : vector<24x1xf32>
      %dot_general3A_66 = tpu.matmul %squeeze3A_63, %slice3A_64, %dot_general3A_65 {dimension_numbers = #tpu.dot_dimension_numbers<[1], [1], [0], [0], [0, 0, 1, 0], [], []>, transpose_lhs_hint = false} : vector<24x2048xf32>, vector<1x2048xf32>, vector<24x1xf32> -> vector<24x1xf32>
      %broadcast_in_dim3A_67 = vector.shape_cast %dot_general3A_66 : vector<24x1xf32> to vector<1x24x1xf32>
      %concatenate3A = tpu.concatenate %broadcast_in_dim3A_25, %broadcast_in_dim3A_31, %broadcast_in_dim3A_37, %broadcast_in_dim3A_43, %broadcast_in_dim3A_49, %broadcast_in_dim3A_55, %broadcast_in_dim3A_61, %broadcast_in_dim3A_67 in 0 : vector<1x24x1xf32>, vector<1x24x1xf32>, vector<1x24x1xf32>, vector<1x24x1xf32>, vector<1x24x1xf32>, vector<1x24x1xf32>, vector<1x24x1xf32>, vector<1x24x1xf32> -> vector<8x24x1xf32>
      %sub3A = vector.broadcast %concatenate3A : vector<8x24x1xf32> to vector<8x24x2048xf32>
      %sub3A_68 = arith.subf %get3A_2, %sub3A : vector<8x24x2048xf32>
      %mul3A = arith.mulf %sub3A_68, %sub3A_68 : vector<8x24x2048xf32>
      %reduce_sum3A = arith.constant dense<0.000000e+00> : vector<8x2048xf32>
      %reduce_sum3A_69 = vector.multi_reduction <add>, %mul3A, %reduce_sum3A [1] : vector<8x24x2048xf32> to vector<8x2048xf32>
      %min3A = arith.minimumf %scan3A_20, %reduce_sum3A_69 : vector<8x2048xf32>
      %reduce_max3A = arith.constant dense<0xFF800000> : vector<8xf32>
      %reduce_max3A_70 = vector.multi_reduction <maximumf>, %min3A, %reduce_max3A [1] : vector<8x2048xf32> to vector<8xf32>
      %broadcast_in_dim3A_71 = vector.shape_cast %reduce_max3A_70 : vector<8xf32> to vector<8x1xf32>
      %eq3A_72 = vector.broadcast %broadcast_in_dim3A_71 : vector<8x1xf32> to vector<8x2048xf32>
      %eq3A_73 = arith.cmpf oeq, %min3A, %eq3A_72 : vector<8x2048xf32>
      %jit3A = arith.constant 2048 : i32
      %broadcast_in_dim3A_74 = vector.broadcast %jit3A : i32 to vector<8x2048xi32>
      %select_n3A = arith.select %eq3A_73, %iota3A, %broadcast_in_dim3A_74 : vector<8x2048xi1>, vector<8x2048xi32>
      %reduce_min3A = arith.constant dense<2147483647> : vector<8xi32>
      %reduce_min3A_75 = vector.multi_reduction <minsi>, %select_n3A, %reduce_min3A [1] : vector<8x2048xi32> to vector<8xi32>
      %broadcast_in_dim3A_76 = vector.shape_cast %reduce_min3A_75 : vector<8xi32> to vector<8x1xi32>
      %add3A = arith.constant 1 : i32
      %add3A_77 = arith.addi %scan3A_19, %add3A : i32
      %eq3A_78 = vector.broadcast %add3A_77 : i32 to vector<8x512xi32>
      %eq3A_79 = arith.cmpi eq, %iota3A_3, %eq3A_78 : vector<8x512xi32>
      %broadcast_in_dim3A_80 = vector.shape_cast %broadcast_in_dim3A_76 : vector<8x1xi32> to vector<8x1xi32>
      %broadcast_in_dim3A_81 = vector.broadcast %broadcast_in_dim3A_80 : vector<8x1xi32> to vector<8x512xi32>
      %select_n3A_82 = arith.select %eq3A_79, %broadcast_in_dim3A_81, %scan3A_22 : vector<8x512xi1>, vector<8x512xi32>
      %eq3A_83 = vector.broadcast %broadcast_in_dim3A_76 : vector<8x1xi32> to vector<8x2048xi32>
      %eq3A_84 = arith.cmpi eq, %iota3A, %eq3A_83 : vector<8x2048xi32>
      %convert_element_type3A_85 = arith.extui %eq3A_84 : vector<8x2048xi1> to vector<8x2048xi32>
      %convert_element_type3A_86 = arith.sitofp %convert_element_type3A_85 : vector<8x2048xi32> to vector<8x2048xf32>
      scf.yield %min3A, %convert_element_type3A_86, %select_n3A_82 : vector<8x2048xf32>, vector<8x2048xf32>, vector<8x512xi32>
    }
    %scan3A_14 = arith.constant 512 : i32
    %broadcast_in_dim3A_15 = vector.shape_cast %scan3A_13#2 : vector<8x512xi32> to vector<8x1x512xi32>
    %swap3A = arith.constant 0 : index
    %swap3A_16 = arith.constant 0 : index
    %swap3A_17 = arith.constant 0 : index
    %swap3A_18 = vector.load %arg2[%swap3A, %swap3A_16, %swap3A_17] : memref<8x1x512xi32, #tpu.memory_space<vmem>>, vector<8x1x512xi32>
    tpu.vector_store %arg2[%swap3A, %swap3A_16, %swap3A_17], %broadcast_in_dim3A_15 {strides = array<i32>} : memref<8x1x512xi32, #tpu.memory_space<vmem>>, vector<8x1x512xi32>,
    return
  }
  func.func @transform_0(%arg0: i32) -> (i32, i32, i32) {
    %c0_i32 = arith.constant 0 : i32
    %c0_i32_0 = arith.constant 0 : i32
    %c0_i32_1 = arith.constant 0 : i32
    %c0_i32_2 = arith.constant 0 : i32
    return %c0_i32, %c0_i32_0, %c0_i32_1 : i32, i32, i32
  }
  func.func @transform_1(%arg0: i32) -> (i32, i32, i32) {
    %c0_i32 = arith.constant 0 : i32
    %c0_i32_0 = arith.constant 0 : i32
    %c0_i32_1 = arith.constant 0 : i32
    %c0_i32_2 = arith.constant 0 : i32
    return %c0_i32, %c0_i32_0, %c0_i32_1 : i32, i32, i32
  }
}

module attributes {stable_mosaic.version = 14 : i64} {
  func.func @_knn_body(%arg0: i32, %arg1: memref<1x2048x24xf32, #tpu.memory_space<vmem>>, %arg2: memref<1x1x512xi32, #tpu.memory_space<vmem>>, %arg3: memref<1x512x24xf32, #tpu.memory_space<vmem>>, %arg4: memref<1x512x32xi32, #tpu.memory_space<vmem>>) attributes {dimension_semantics = [#tpu.dimension_semantics<arbitrary>], iteration_bounds = array<i64: 8>, scalar_prefetch = 0 : i64, scratch_operands = 0 : i64, tpu.core_type = #tpu.core_type<tc>, window_params = [{transform_indices = @transform_0, window_bounds = array<i64: 1, 2048, 24>}, {transform_indices = @transform_1, window_bounds = array<i64: 1, 1, 512>}, {transform_indices = @transform_2, window_bounds = array<i64: 1, 512, 24>}, {transform_indices = @transform_3, window_bounds = array<i64: 1, 512, 32>}]} {
    %get3A = arith.constant 0 : index
    %get3A_0 = arith.constant 0 : index
    %get3A_1 = arith.constant 0 : index
    %get3A_2 = vector.load %arg1[%get3A, %get3A_0, %get3A_1] : memref<1x2048x24xf32, #tpu.memory_space<vmem>>, vector<1x2048x24xf32>
    %get3A_3 = vector.shape_cast %get3A_2 : vector<1x2048x24xf32> to vector<2048x24xf32>
    %get3A_4 = arith.constant 0 : index
    %get3A_5 = arith.constant 0 : index
    %get3A_6 = arith.constant 0 : index
    %get3A_7 = vector.load %arg2[%get3A_4, %get3A_5, %get3A_6] : memref<1x1x512xi32, #tpu.memory_space<vmem>>, vector<1x1x512xi32>
    %get3A_8 = vector.shape_cast %get3A_7 : vector<1x1x512xi32> to vector<512xi32>
    %broadcast_in_dim3A = vector.shape_cast %get3A_8 : vector<512xi32> to vector<512x1xi32>
    %iota3A = tpu.iota {dimensions = array<i32: 1>} : vector<512x2048xi32>
    %eq3A = vector.broadcast %broadcast_in_dim3A : vector<512x1xi32> to vector<512x2048xi32>
    %eq3A_9 = arith.cmpi eq, %eq3A, %iota3A : vector<512x2048xi32>
    %convert_element_type3A = arith.extui %eq3A_9 : vector<512x2048xi1> to vector<512x2048xi32>
    %convert_element_type3A_10 = arith.sitofp %convert_element_type3A : vector<512x2048xi32> to vector<512x2048xf32>
    %dot_general3A = arith.constant dense<0.000000e+00> : vector<512x24xf32>
    %dot_general3A_11 = tpu.matmul %convert_element_type3A_10, %get3A_3, %dot_general3A {dimension_numbers = #tpu.dot_dimension_numbers<[1], [0], [0], [1], [0, 0, 1, 1], [], []>, transpose_lhs_hint = false} : vector<512x2048xf32>, vector<2048x24xf32>, vector<512x24xf32> -> vector<512x24xf32>
    %swap3A = arith.constant 0 : index
    %swap3A_12 = arith.constant 0 : index
    %swap3A_13 = arith.constant 0 : index
    %swap3A_14 = vector.load %arg3[%swap3A, %swap3A_12, %swap3A_13] : memref<1x512x24xf32, #tpu.memory_space<vmem>>, vector<1x512x24xf32>
    %swap3A_15 = vector.shape_cast %swap3A_14 : vector<1x512x24xf32> to vector<512x24xf32>
    %swap3A_16 = vector.shape_cast %dot_general3A_11 : vector<512x24xf32> to vector<1x512x24xf32>
    tpu.vector_store %arg3[%swap3A, %swap3A_12, %swap3A_13], %swap3A_16 {strides = array<i32>} : memref<1x512x24xf32, #tpu.memory_space<vmem>>, vector<1x512x24xf32>,
    %slice3A = vector.extract_strided_slice %dot_general3A_11 {offsets = [0, 3], sizes = [512, 20], strides = [1, 1]} : vector<512x24xf32> to vector<512x20xf32>
    %slice3A_17 = vector.extract_strided_slice %dot_general3A_11 {offsets = [0, 0], sizes = [512, 3], strides = [1, 1]} : vector<512x24xf32> to vector<512x3xf32>
    %slice3A_18 = vector.extract_strided_slice %get3A_3 {offsets = [0, 3], sizes = [2048, 20], strides = [1, 1]} : vector<2048x24xf32> to vector<2048x20xf32>
    %slice3A_19 = vector.extract_strided_slice %get3A_3 {offsets = [0, 0], sizes = [2048, 3], strides = [1, 1]} : vector<2048x24xf32> to vector<2048x3xf32>
    %dot_general3A_20 = arith.constant dense<0.000000e+00> : vector<512x2048xf32>
    %dot_general3A_21 = tpu.matmul %slice3A, %slice3A_18, %dot_general3A_20 {dimension_numbers = #tpu.dot_dimension_numbers<[1], [1], [0], [0], [0, 0, 1, 0], [], []>, transpose_lhs_hint = false} : vector<512x20xf32>, vector<2048x20xf32>, vector<512x2048xf32> -> vector<512x2048xf32>
    %mul3A = arith.constant -2.000000e+00 : f32
    %mul3A_22 = vector.broadcast %mul3A : f32 to vector<512x2048xf32>
    %mul3A_23 = arith.mulf %mul3A_22, %dot_general3A_21 : vector<512x2048xf32>
    %mul3A_24 = arith.mulf %slice3A, %slice3A : vector<512x20xf32>
    %reduce_sum3A = arith.constant dense<0.000000e+00> : vector<512xf32>
    %reduce_sum3A_25 = vector.multi_reduction <add>, %mul3A_24, %reduce_sum3A [1] : vector<512x20xf32> to vector<512xf32>
    %broadcast_in_dim3A_26 = vector.shape_cast %reduce_sum3A_25 : vector<512xf32> to vector<512x1xf32>
    %add3A = vector.broadcast %broadcast_in_dim3A_26 : vector<512x1xf32> to vector<512x2048xf32>
    %add3A_27 = arith.addf %mul3A_23, %add3A : vector<512x2048xf32>
    %mul3A_28 = arith.mulf %slice3A_18, %slice3A_18 : vector<2048x20xf32>
    %reduce_sum3A_29 = arith.constant dense<0.000000e+00> : vector<2048xf32>
    %reduce_sum3A_30 = vector.multi_reduction <add>, %mul3A_28, %reduce_sum3A_29 [1] : vector<2048x20xf32> to vector<2048xf32>
    %broadcast_in_dim3A_31 = vector.shape_cast %reduce_sum3A_30 : vector<2048xf32> to vector<1x2048xf32>
    %add3A_32 = vector.broadcast %broadcast_in_dim3A_31 : vector<1x2048xf32> to vector<512x2048xf32>
    %add3A_33 = arith.addf %add3A_27, %add3A_32 : vector<512x2048xf32>
    %dot_general3A_34 = arith.constant dense<0.000000e+00> : vector<512x2048xf32>
    %dot_general3A_35 = tpu.matmul %slice3A_17, %slice3A_19, %dot_general3A_34 {dimension_numbers = #tpu.dot_dimension_numbers<[1], [1], [0], [0], [0, 0, 1, 0], [], []>, transpose_lhs_hint = false} : vector<512x3xf32>, vector<2048x3xf32>, vector<512x2048xf32> -> vector<512x2048xf32>
    %mul3A_36 = arith.constant -2.000000e+00 : f32
    %mul3A_37 = vector.broadcast %mul3A_36 : f32 to vector<512x2048xf32>
    %mul3A_38 = arith.mulf %mul3A_37, %dot_general3A_35 : vector<512x2048xf32>
    %mul3A_39 = arith.mulf %slice3A_17, %slice3A_17 : vector<512x3xf32>
    %reduce_sum3A_40 = arith.constant dense<0.000000e+00> : vector<512xf32>
    %reduce_sum3A_41 = vector.multi_reduction <add>, %mul3A_39, %reduce_sum3A_40 [1] : vector<512x3xf32> to vector<512xf32>
    %broadcast_in_dim3A_42 = vector.shape_cast %reduce_sum3A_41 : vector<512xf32> to vector<512x1xf32>
    %add3A_43 = vector.broadcast %broadcast_in_dim3A_42 : vector<512x1xf32> to vector<512x2048xf32>
    %add3A_44 = arith.addf %mul3A_38, %add3A_43 : vector<512x2048xf32>
    %mul3A_45 = arith.mulf %slice3A_19, %slice3A_19 : vector<2048x3xf32>
    %reduce_sum3A_46 = arith.constant dense<0.000000e+00> : vector<2048xf32>
    %reduce_sum3A_47 = vector.multi_reduction <add>, %mul3A_45, %reduce_sum3A_46 [1] : vector<2048x3xf32> to vector<2048xf32>
    %broadcast_in_dim3A_48 = vector.shape_cast %reduce_sum3A_47 : vector<2048xf32> to vector<1x2048xf32>
    %add3A_49 = vector.broadcast %broadcast_in_dim3A_48 : vector<1x2048xf32> to vector<512x2048xf32>
    %add3A_50 = arith.addf %add3A_44, %add3A_49 : vector<512x2048xf32>
    %add3A_51 = arith.addf %add3A_33, %add3A_50 : vector<512x2048xf32>
    %mul3A_52 = arith.constant 2048 : i32
    %mul3A_53 = arith.muli %arg0, %mul3A_52 : i32
    %iota3A_54 = tpu.iota {dimensions = array<i32: 1>} : vector<512x2048xi32>
    %argmin3A = tpu.reduce_index %add3A_51 {axis = 1 : i32, kind = #tpu.reduction_kind<arg_min>} : vector<512x2048xf32> -> vector<512xi32>
    %add3A_55 = vector.broadcast %mul3A_53 : i32 to vector<512xi32>
    %add3A_56 = arith.addi %argmin3A, %add3A_55 : vector<512xi32>
    %broadcast_in_dim3A_57 = vector.shape_cast %argmin3A : vector<512xi32> to vector<512x1xi32>
    %eq3A_58 = vector.broadcast %broadcast_in_dim3A_57 : vector<512x1xi32> to vector<512x2048xi32>
    %eq3A_59 = arith.cmpi eq, %iota3A_54, %eq3A_58 : vector<512x2048xi32>
    %jit3A = arith.constant 1.000000e+30 : f32
    %broadcast_in_dim3A_60 = vector.broadcast %jit3A : f32 to vector<512x2048xf32>
    %select_n3A = arith.select %eq3A_59, %broadcast_in_dim3A_60, %add3A_51 : vector<512x2048xi1>, vector<512x2048xf32>
    %argmin3A_61 = tpu.reduce_index %select_n3A {axis = 1 : i32, kind = #tpu.reduction_kind<arg_min>} : vector<512x2048xf32> -> vector<512xi32>
    %add3A_62 = vector.broadcast %mul3A_53 : i32 to vector<512xi32>
    %add3A_63 = arith.addi %argmin3A_61, %add3A_62 : vector<512xi32>
    %broadcast_in_dim3A_64 = vector.shape_cast %argmin3A_61 : vector<512xi32> to vector<512x1xi32>
    %eq3A_65 = vector.broadcast %broadcast_in_dim3A_64 : vector<512x1xi32> to vector<512x2048xi32>
    %eq3A_66 = arith.cmpi eq, %iota3A_54, %eq3A_65 : vector<512x2048xi32>
    %jit3A_67 = arith.constant 1.000000e+30 : f32
    %broadcast_in_dim3A_68 = vector.broadcast %jit3A_67 : f32 to vector<512x2048xf32>
    %select_n3A_69 = arith.select %eq3A_66, %broadcast_in_dim3A_68, %select_n3A : vector<512x2048xi1>, vector<512x2048xf32>
    %argmin3A_70 = tpu.reduce_index %select_n3A_69 {axis = 1 : i32, kind = #tpu.reduction_kind<arg_min>} : vector<512x2048xf32> -> vector<512xi32>
    %add3A_71 = vector.broadcast %mul3A_53 : i32 to vector<512xi32>
    %add3A_72 = arith.addi %argmin3A_70, %add3A_71 : vector<512xi32>
    %broadcast_in_dim3A_73 = vector.shape_cast %argmin3A_70 : vector<512xi32> to vector<512x1xi32>
    %eq3A_74 = vector.broadcast %broadcast_in_dim3A_73 : vector<512x1xi32> to vector<512x2048xi32>
    %eq3A_75 = arith.cmpi eq, %iota3A_54, %eq3A_74 : vector<512x2048xi32>
    %jit3A_76 = arith.constant 1.000000e+30 : f32
    %broadcast_in_dim3A_77 = vector.broadcast %jit3A_76 : f32 to vector<512x2048xf32>
    %select_n3A_78 = arith.select %eq3A_75, %broadcast_in_dim3A_77, %select_n3A_69 : vector<512x2048xi1>, vector<512x2048xf32>
    %argmin3A_79 = tpu.reduce_index %select_n3A_78 {axis = 1 : i32, kind = #tpu.reduction_kind<arg_min>} : vector<512x2048xf32> -> vector<512xi32>
    %add3A_80 = vector.broadcast %mul3A_53 : i32 to vector<512xi32>
    %add3A_81 = arith.addi %argmin3A_79, %add3A_80 : vector<512xi32>
    %broadcast_in_dim3A_82 = vector.shape_cast %argmin3A_79 : vector<512xi32> to vector<512x1xi32>
    %eq3A_83 = vector.broadcast %broadcast_in_dim3A_82 : vector<512x1xi32> to vector<512x2048xi32>
    %eq3A_84 = arith.cmpi eq, %iota3A_54, %eq3A_83 : vector<512x2048xi32>
    %jit3A_85 = arith.constant 1.000000e+30 : f32
    %broadcast_in_dim3A_86 = vector.broadcast %jit3A_85 : f32 to vector<512x2048xf32>
    %select_n3A_87 = arith.select %eq3A_84, %broadcast_in_dim3A_86, %select_n3A_78 : vector<512x2048xi1>, vector<512x2048xf32>
    %argmin3A_88 = tpu.reduce_index %select_n3A_87 {axis = 1 : i32, kind = #tpu.reduction_kind<arg_min>} : vector<512x2048xf32> -> vector<512xi32>
    %add3A_89 = vector.broadcast %mul3A_53 : i32 to vector<512xi32>
    %add3A_90 = arith.addi %argmin3A_88, %add3A_89 : vector<512xi32>
    %broadcast_in_dim3A_91 = vector.shape_cast %argmin3A_88 : vector<512xi32> to vector<512x1xi32>
    %eq3A_92 = vector.broadcast %broadcast_in_dim3A_91 : vector<512x1xi32> to vector<512x2048xi32>
    %eq3A_93 = arith.cmpi eq, %iota3A_54, %eq3A_92 : vector<512x2048xi32>
    %jit3A_94 = arith.constant 1.000000e+30 : f32
    %broadcast_in_dim3A_95 = vector.broadcast %jit3A_94 : f32 to vector<512x2048xf32>
    %select_n3A_96 = arith.select %eq3A_93, %broadcast_in_dim3A_95, %select_n3A_87 : vector<512x2048xi1>, vector<512x2048xf32>
    %argmin3A_97 = tpu.reduce_index %select_n3A_96 {axis = 1 : i32, kind = #tpu.reduction_kind<arg_min>} : vector<512x2048xf32> -> vector<512xi32>
    %add3A_98 = vector.broadcast %mul3A_53 : i32 to vector<512xi32>
    %add3A_99 = arith.addi %argmin3A_97, %add3A_98 : vector<512xi32>
    %broadcast_in_dim3A_100 = vector.shape_cast %argmin3A_97 : vector<512xi32> to vector<512x1xi32>
    %eq3A_101 = vector.broadcast %broadcast_in_dim3A_100 : vector<512x1xi32> to vector<512x2048xi32>
    %eq3A_102 = arith.cmpi eq, %iota3A_54, %eq3A_101 : vector<512x2048xi32>
    %jit3A_103 = arith.constant 1.000000e+30 : f32
    %broadcast_in_dim3A_104 = vector.broadcast %jit3A_103 : f32 to vector<512x2048xf32>
    %select_n3A_105 = arith.select %eq3A_102, %broadcast_in_dim3A_104, %select_n3A_96 : vector<512x2048xi1>, vector<512x2048xf32>
    %argmin3A_106 = tpu.reduce_index %select_n3A_105 {axis = 1 : i32, kind = #tpu.reduction_kind<arg_min>} : vector<512x2048xf32> -> vector<512xi32>
    %add3A_107 = vector.broadcast %mul3A_53 : i32 to vector<512xi32>
    %add3A_108 = arith.addi %argmin3A_106, %add3A_107 : vector<512xi32>
    %broadcast_in_dim3A_109 = vector.shape_cast %argmin3A_106 : vector<512xi32> to vector<512x1xi32>
    %eq3A_110 = vector.broadcast %broadcast_in_dim3A_109 : vector<512x1xi32> to vector<512x2048xi32>
    %eq3A_111 = arith.cmpi eq, %iota3A_54, %eq3A_110 : vector<512x2048xi32>
    %jit3A_112 = arith.constant 1.000000e+30 : f32
    %broadcast_in_dim3A_113 = vector.broadcast %jit3A_112 : f32 to vector<512x2048xf32>
    %select_n3A_114 = arith.select %eq3A_111, %broadcast_in_dim3A_113, %select_n3A_105 : vector<512x2048xi1>, vector<512x2048xf32>
    %argmin3A_115 = tpu.reduce_index %select_n3A_114 {axis = 1 : i32, kind = #tpu.reduction_kind<arg_min>} : vector<512x2048xf32> -> vector<512xi32>
    %add3A_116 = vector.broadcast %mul3A_53 : i32 to vector<512xi32>
    %add3A_117 = arith.addi %argmin3A_115, %add3A_116 : vector<512xi32>
    %broadcast_in_dim3A_118 = vector.shape_cast %argmin3A_115 : vector<512xi32> to vector<512x1xi32>
    %eq3A_119 = vector.broadcast %broadcast_in_dim3A_118 : vector<512x1xi32> to vector<512x2048xi32>
    %eq3A_120 = arith.cmpi eq, %iota3A_54, %eq3A_119 : vector<512x2048xi32>
    %jit3A_121 = arith.constant 1.000000e+30 : f32
    %broadcast_in_dim3A_122 = vector.broadcast %jit3A_121 : f32 to vector<512x2048xf32>
    %select_n3A_123 = arith.select %eq3A_120, %broadcast_in_dim3A_122, %select_n3A_114 : vector<512x2048xi1>, vector<512x2048xf32>
    %argmin3A_124 = tpu.reduce_index %select_n3A_123 {axis = 1 : i32, kind = #tpu.reduction_kind<arg_min>} : vector<512x2048xf32> -> vector<512xi32>
    %add3A_125 = vector.broadcast %mul3A_53 : i32 to vector<512xi32>
    %add3A_126 = arith.addi %argmin3A_124, %add3A_125 : vector<512xi32>
    %broadcast_in_dim3A_127 = vector.shape_cast %argmin3A_124 : vector<512xi32> to vector<512x1xi32>
    %eq3A_128 = vector.broadcast %broadcast_in_dim3A_127 : vector<512x1xi32> to vector<512x2048xi32>
    %eq3A_129 = arith.cmpi eq, %iota3A_54, %eq3A_128 : vector<512x2048xi32>
    %jit3A_130 = arith.constant 1.000000e+30 : f32
    %broadcast_in_dim3A_131 = vector.broadcast %jit3A_130 : f32 to vector<512x2048xf32>
    %select_n3A_132 = arith.select %eq3A_129, %broadcast_in_dim3A_131, %select_n3A_123 : vector<512x2048xi1>, vector<512x2048xf32>
    %argmin3A_133 = tpu.reduce_index %select_n3A_132 {axis = 1 : i32, kind = #tpu.reduction_kind<arg_min>} : vector<512x2048xf32> -> vector<512xi32>
    %add3A_134 = vector.broadcast %mul3A_53 : i32 to vector<512xi32>
    %add3A_135 = arith.addi %argmin3A_133, %add3A_134 : vector<512xi32>
    %broadcast_in_dim3A_136 = vector.shape_cast %argmin3A_133 : vector<512xi32> to vector<512x1xi32>
    %eq3A_137 = vector.broadcast %broadcast_in_dim3A_136 : vector<512x1xi32> to vector<512x2048xi32>
    %eq3A_138 = arith.cmpi eq, %iota3A_54, %eq3A_137 : vector<512x2048xi32>
    %jit3A_139 = arith.constant 1.000000e+30 : f32
    %broadcast_in_dim3A_140 = vector.broadcast %jit3A_139 : f32 to vector<512x2048xf32>
    %select_n3A_141 = arith.select %eq3A_138, %broadcast_in_dim3A_140, %select_n3A_132 : vector<512x2048xi1>, vector<512x2048xf32>
    %argmin3A_142 = tpu.reduce_index %select_n3A_141 {axis = 1 : i32, kind = #tpu.reduction_kind<arg_min>} : vector<512x2048xf32> -> vector<512xi32>
    %add3A_143 = vector.broadcast %mul3A_53 : i32 to vector<512xi32>
    %add3A_144 = arith.addi %argmin3A_142, %add3A_143 : vector<512xi32>
    %broadcast_in_dim3A_145 = vector.shape_cast %argmin3A_142 : vector<512xi32> to vector<512x1xi32>
    %eq3A_146 = vector.broadcast %broadcast_in_dim3A_145 : vector<512x1xi32> to vector<512x2048xi32>
    %eq3A_147 = arith.cmpi eq, %iota3A_54, %eq3A_146 : vector<512x2048xi32>
    %jit3A_148 = arith.constant 1.000000e+30 : f32
    %broadcast_in_dim3A_149 = vector.broadcast %jit3A_148 : f32 to vector<512x2048xf32>
    %select_n3A_150 = arith.select %eq3A_147, %broadcast_in_dim3A_149, %select_n3A_141 : vector<512x2048xi1>, vector<512x2048xf32>
    %argmin3A_151 = tpu.reduce_index %select_n3A_150 {axis = 1 : i32, kind = #tpu.reduction_kind<arg_min>} : vector<512x2048xf32> -> vector<512xi32>
    %add3A_152 = vector.broadcast %mul3A_53 : i32 to vector<512xi32>
    %add3A_153 = arith.addi %argmin3A_151, %add3A_152 : vector<512xi32>
    %broadcast_in_dim3A_154 = vector.shape_cast %argmin3A_151 : vector<512xi32> to vector<512x1xi32>
    %eq3A_155 = vector.broadcast %broadcast_in_dim3A_154 : vector<512x1xi32> to vector<512x2048xi32>
    %eq3A_156 = arith.cmpi eq, %iota3A_54, %eq3A_155 : vector<512x2048xi32>
    %jit3A_157 = arith.constant 1.000000e+30 : f32
    %broadcast_in_dim3A_158 = vector.broadcast %jit3A_157 : f32 to vector<512x2048xf32>
    %select_n3A_159 = arith.select %eq3A_156, %broadcast_in_dim3A_158, %select_n3A_150 : vector<512x2048xi1>, vector<512x2048xf32>
    %argmin3A_160 = tpu.reduce_index %select_n3A_159 {axis = 1 : i32, kind = #tpu.reduction_kind<arg_min>} : vector<512x2048xf32> -> vector<512xi32>
    %add3A_161 = vector.broadcast %mul3A_53 : i32 to vector<512xi32>
    %add3A_162 = arith.addi %argmin3A_160, %add3A_161 : vector<512xi32>
    %broadcast_in_dim3A_163 = vector.shape_cast %argmin3A_160 : vector<512xi32> to vector<512x1xi32>
    %eq3A_164 = vector.broadcast %broadcast_in_dim3A_163 : vector<512x1xi32> to vector<512x2048xi32>
    %eq3A_165 = arith.cmpi eq, %iota3A_54, %eq3A_164 : vector<512x2048xi32>
    %jit3A_166 = arith.constant 1.000000e+30 : f32
    %broadcast_in_dim3A_167 = vector.broadcast %jit3A_166 : f32 to vector<512x2048xf32>
    %select_n3A_168 = arith.select %eq3A_165, %broadcast_in_dim3A_167, %select_n3A_159 : vector<512x2048xi1>, vector<512x2048xf32>
    %argmin3A_169 = tpu.reduce_index %select_n3A_168 {axis = 1 : i32, kind = #tpu.reduction_kind<arg_min>} : vector<512x2048xf32> -> vector<512xi32>
    %add3A_170 = vector.broadcast %mul3A_53 : i32 to vector<512xi32>
    %add3A_171 = arith.addi %argmin3A_169, %add3A_170 : vector<512xi32>
    %broadcast_in_dim3A_172 = vector.shape_cast %argmin3A_169 : vector<512xi32> to vector<512x1xi32>
    %eq3A_173 = vector.broadcast %broadcast_in_dim3A_172 : vector<512x1xi32> to vector<512x2048xi32>
    %eq3A_174 = arith.cmpi eq, %iota3A_54, %eq3A_173 : vector<512x2048xi32>
    %jit3A_175 = arith.constant 1.000000e+30 : f32
    %broadcast_in_dim3A_176 = vector.broadcast %jit3A_175 : f32 to vector<512x2048xf32>
    %select_n3A_177 = arith.select %eq3A_174, %broadcast_in_dim3A_176, %select_n3A_168 : vector<512x2048xi1>, vector<512x2048xf32>
    %argmin3A_178 = tpu.reduce_index %select_n3A_177 {axis = 1 : i32, kind = #tpu.reduction_kind<arg_min>} : vector<512x2048xf32> -> vector<512xi32>
    %add3A_179 = vector.broadcast %mul3A_53 : i32 to vector<512xi32>
    %add3A_180 = arith.addi %argmin3A_178, %add3A_179 : vector<512xi32>
    %broadcast_in_dim3A_181 = vector.shape_cast %argmin3A_178 : vector<512xi32> to vector<512x1xi32>
    %eq3A_182 = vector.broadcast %broadcast_in_dim3A_181 : vector<512x1xi32> to vector<512x2048xi32>
    %eq3A_183 = arith.cmpi eq, %iota3A_54, %eq3A_182 : vector<512x2048xi32>
    %jit3A_184 = arith.constant 1.000000e+30 : f32
    %broadcast_in_dim3A_185 = vector.broadcast %jit3A_184 : f32 to vector<512x2048xf32>
    %select_n3A_186 = arith.select %eq3A_183, %broadcast_in_dim3A_185, %select_n3A_177 : vector<512x2048xi1>, vector<512x2048xf32>
    %argmin3A_187 = tpu.reduce_index %select_n3A_186 {axis = 1 : i32, kind = #tpu.reduction_kind<arg_min>} : vector<512x2048xf32> -> vector<512xi32>
    %add3A_188 = vector.broadcast %mul3A_53 : i32 to vector<512xi32>
    %add3A_189 = arith.addi %argmin3A_187, %add3A_188 : vector<512xi32>
    %broadcast_in_dim3A_190 = vector.shape_cast %argmin3A_187 : vector<512xi32> to vector<512x1xi32>
    %eq3A_191 = vector.broadcast %broadcast_in_dim3A_190 : vector<512x1xi32> to vector<512x2048xi32>
    %eq3A_192 = arith.cmpi eq, %iota3A_54, %eq3A_191 : vector<512x2048xi32>
    %jit3A_193 = arith.constant 1.000000e+30 : f32
    %broadcast_in_dim3A_194 = vector.broadcast %jit3A_193 : f32 to vector<512x2048xf32>
    %select_n3A_195 = arith.select %eq3A_192, %broadcast_in_dim3A_194, %select_n3A_186 : vector<512x2048xi1>, vector<512x2048xf32>
    %argmin3A_196 = tpu.reduce_index %select_n3A_195 {axis = 1 : i32, kind = #tpu.reduction_kind<arg_min>} : vector<512x2048xf32> -> vector<512xi32>
    %add3A_197 = vector.broadcast %mul3A_53 : i32 to vector<512xi32>
    %add3A_198 = arith.addi %argmin3A_196, %add3A_197 : vector<512xi32>
    %broadcast_in_dim3A_199 = vector.shape_cast %argmin3A_196 : vector<512xi32> to vector<512x1xi32>
    %eq3A_200 = vector.broadcast %broadcast_in_dim3A_199 : vector<512x1xi32> to vector<512x2048xi32>
    %eq3A_201 = arith.cmpi eq, %iota3A_54, %eq3A_200 : vector<512x2048xi32>
    %jit3A_202 = arith.constant 1.000000e+30 : f32
    %broadcast_in_dim3A_203 = vector.broadcast %jit3A_202 : f32 to vector<512x2048xf32>
    %select_n3A_204 = arith.select %eq3A_201, %broadcast_in_dim3A_203, %select_n3A_195 : vector<512x2048xi1>, vector<512x2048xf32>
    %argmin3A_205 = tpu.reduce_index %select_n3A_204 {axis = 1 : i32, kind = #tpu.reduction_kind<arg_min>} : vector<512x2048xf32> -> vector<512xi32>
    %add3A_206 = vector.broadcast %mul3A_53 : i32 to vector<512xi32>
    %add3A_207 = arith.addi %argmin3A_205, %add3A_206 : vector<512xi32>
    %broadcast_in_dim3A_208 = vector.shape_cast %argmin3A_205 : vector<512xi32> to vector<512x1xi32>
    %eq3A_209 = vector.broadcast %broadcast_in_dim3A_208 : vector<512x1xi32> to vector<512x2048xi32>
    %eq3A_210 = arith.cmpi eq, %iota3A_54, %eq3A_209 : vector<512x2048xi32>
    %jit3A_211 = arith.constant 1.000000e+30 : f32
    %broadcast_in_dim3A_212 = vector.broadcast %jit3A_211 : f32 to vector<512x2048xf32>
    %select_n3A_213 = arith.select %eq3A_210, %broadcast_in_dim3A_212, %select_n3A_204 : vector<512x2048xi1>, vector<512x2048xf32>
    %argmin3A_214 = tpu.reduce_index %select_n3A_213 {axis = 1 : i32, kind = #tpu.reduction_kind<arg_min>} : vector<512x2048xf32> -> vector<512xi32>
    %add3A_215 = vector.broadcast %mul3A_53 : i32 to vector<512xi32>
    %add3A_216 = arith.addi %argmin3A_214, %add3A_215 : vector<512xi32>
    %broadcast_in_dim3A_217 = vector.shape_cast %argmin3A_214 : vector<512xi32> to vector<512x1xi32>
    %eq3A_218 = vector.broadcast %broadcast_in_dim3A_217 : vector<512x1xi32> to vector<512x2048xi32>
    %eq3A_219 = arith.cmpi eq, %iota3A_54, %eq3A_218 : vector<512x2048xi32>
    %jit3A_220 = arith.constant 1.000000e+30 : f32
    %broadcast_in_dim3A_221 = vector.broadcast %jit3A_220 : f32 to vector<512x2048xf32>
    %select_n3A_222 = arith.select %eq3A_219, %broadcast_in_dim3A_221, %select_n3A_213 : vector<512x2048xi1>, vector<512x2048xf32>
    %argmin3A_223 = tpu.reduce_index %select_n3A_222 {axis = 1 : i32, kind = #tpu.reduction_kind<arg_min>} : vector<512x2048xf32> -> vector<512xi32>
    %add3A_224 = vector.broadcast %mul3A_53 : i32 to vector<512xi32>
    %add3A_225 = arith.addi %argmin3A_223, %add3A_224 : vector<512xi32>
    %broadcast_in_dim3A_226 = vector.shape_cast %argmin3A_223 : vector<512xi32> to vector<512x1xi32>
    %eq3A_227 = vector.broadcast %broadcast_in_dim3A_226 : vector<512x1xi32> to vector<512x2048xi32>
    %eq3A_228 = arith.cmpi eq, %iota3A_54, %eq3A_227 : vector<512x2048xi32>
    %jit3A_229 = arith.constant 1.000000e+30 : f32
    %broadcast_in_dim3A_230 = vector.broadcast %jit3A_229 : f32 to vector<512x2048xf32>
    %select_n3A_231 = arith.select %eq3A_228, %broadcast_in_dim3A_230, %select_n3A_222 : vector<512x2048xi1>, vector<512x2048xf32>
    %argmin3A_232 = tpu.reduce_index %select_n3A_231 {axis = 1 : i32, kind = #tpu.reduction_kind<arg_min>} : vector<512x2048xf32> -> vector<512xi32>
    %add3A_233 = vector.broadcast %mul3A_53 : i32 to vector<512xi32>
    %add3A_234 = arith.addi %argmin3A_232, %add3A_233 : vector<512xi32>
    %broadcast_in_dim3A_235 = vector.shape_cast %argmin3A_232 : vector<512xi32> to vector<512x1xi32>
    %eq3A_236 = vector.broadcast %broadcast_in_dim3A_235 : vector<512x1xi32> to vector<512x2048xi32>
    %eq3A_237 = arith.cmpi eq, %iota3A_54, %eq3A_236 : vector<512x2048xi32>
    %jit3A_238 = arith.constant 1.000000e+30 : f32
    %broadcast_in_dim3A_239 = vector.broadcast %jit3A_238 : f32 to vector<512x2048xf32>
    %select_n3A_240 = arith.select %eq3A_237, %broadcast_in_dim3A_239, %select_n3A_231 : vector<512x2048xi1>, vector<512x2048xf32>
    %argmin3A_241 = tpu.reduce_index %select_n3A_240 {axis = 1 : i32, kind = #tpu.reduction_kind<arg_min>} : vector<512x2048xf32> -> vector<512xi32>
    %add3A_242 = vector.broadcast %mul3A_53 : i32 to vector<512xi32>
    %add3A_243 = arith.addi %argmin3A_241, %add3A_242 : vector<512xi32>
    %broadcast_in_dim3A_244 = vector.shape_cast %argmin3A_241 : vector<512xi32> to vector<512x1xi32>
    %eq3A_245 = vector.broadcast %broadcast_in_dim3A_244 : vector<512x1xi32> to vector<512x2048xi32>
    %eq3A_246 = arith.cmpi eq, %iota3A_54, %eq3A_245 : vector<512x2048xi32>
    %jit3A_247 = arith.constant 1.000000e+30 : f32
    %broadcast_in_dim3A_248 = vector.broadcast %jit3A_247 : f32 to vector<512x2048xf32>
    %select_n3A_249 = arith.select %eq3A_246, %broadcast_in_dim3A_248, %select_n3A_240 : vector<512x2048xi1>, vector<512x2048xf32>
    %argmin3A_250 = tpu.reduce_index %select_n3A_249 {axis = 1 : i32, kind = #tpu.reduction_kind<arg_min>} : vector<512x2048xf32> -> vector<512xi32>
    %add3A_251 = vector.broadcast %mul3A_53 : i32 to vector<512xi32>
    %add3A_252 = arith.addi %argmin3A_250, %add3A_251 : vector<512xi32>
    %broadcast_in_dim3A_253 = vector.shape_cast %argmin3A_250 : vector<512xi32> to vector<512x1xi32>
    %eq3A_254 = vector.broadcast %broadcast_in_dim3A_253 : vector<512x1xi32> to vector<512x2048xi32>
    %eq3A_255 = arith.cmpi eq, %iota3A_54, %eq3A_254 : vector<512x2048xi32>
    %jit3A_256 = arith.constant 1.000000e+30 : f32
    %broadcast_in_dim3A_257 = vector.broadcast %jit3A_256 : f32 to vector<512x2048xf32>
    %select_n3A_258 = arith.select %eq3A_255, %broadcast_in_dim3A_257, %select_n3A_249 : vector<512x2048xi1>, vector<512x2048xf32>
    %argmin3A_259 = tpu.reduce_index %select_n3A_258 {axis = 1 : i32, kind = #tpu.reduction_kind<arg_min>} : vector<512x2048xf32> -> vector<512xi32>
    %add3A_260 = vector.broadcast %mul3A_53 : i32 to vector<512xi32>
    %add3A_261 = arith.addi %argmin3A_259, %add3A_260 : vector<512xi32>
    %broadcast_in_dim3A_262 = vector.shape_cast %argmin3A_259 : vector<512xi32> to vector<512x1xi32>
    %eq3A_263 = vector.broadcast %broadcast_in_dim3A_262 : vector<512x1xi32> to vector<512x2048xi32>
    %eq3A_264 = arith.cmpi eq, %iota3A_54, %eq3A_263 : vector<512x2048xi32>
    %jit3A_265 = arith.constant 1.000000e+30 : f32
    %broadcast_in_dim3A_266 = vector.broadcast %jit3A_265 : f32 to vector<512x2048xf32>
    %select_n3A_267 = arith.select %eq3A_264, %broadcast_in_dim3A_266, %select_n3A_258 : vector<512x2048xi1>, vector<512x2048xf32>
    %argmin3A_268 = tpu.reduce_index %select_n3A_267 {axis = 1 : i32, kind = #tpu.reduction_kind<arg_min>} : vector<512x2048xf32> -> vector<512xi32>
    %add3A_269 = vector.broadcast %mul3A_53 : i32 to vector<512xi32>
    %add3A_270 = arith.addi %argmin3A_268, %add3A_269 : vector<512xi32>
    %broadcast_in_dim3A_271 = vector.shape_cast %argmin3A_268 : vector<512xi32> to vector<512x1xi32>
    %eq3A_272 = vector.broadcast %broadcast_in_dim3A_271 : vector<512x1xi32> to vector<512x2048xi32>
    %eq3A_273 = arith.cmpi eq, %iota3A_54, %eq3A_272 : vector<512x2048xi32>
    %jit3A_274 = arith.constant 1.000000e+30 : f32
    %broadcast_in_dim3A_275 = vector.broadcast %jit3A_274 : f32 to vector<512x2048xf32>
    %select_n3A_276 = arith.select %eq3A_273, %broadcast_in_dim3A_275, %select_n3A_267 : vector<512x2048xi1>, vector<512x2048xf32>
    %argmin3A_277 = tpu.reduce_index %select_n3A_276 {axis = 1 : i32, kind = #tpu.reduction_kind<arg_min>} : vector<512x2048xf32> -> vector<512xi32>
    %add3A_278 = vector.broadcast %mul3A_53 : i32 to vector<512xi32>
    %add3A_279 = arith.addi %argmin3A_277, %add3A_278 : vector<512xi32>
    %broadcast_in_dim3A_280 = vector.shape_cast %argmin3A_277 : vector<512xi32> to vector<512x1xi32>
    %eq3A_281 = vector.broadcast %broadcast_in_dim3A_280 : vector<512x1xi32> to vector<512x2048xi32>
    %eq3A_282 = arith.cmpi eq, %iota3A_54, %eq3A_281 : vector<512x2048xi32>
    %jit3A_283 = arith.constant 1.000000e+30 : f32
    %broadcast_in_dim3A_284 = vector.broadcast %jit3A_283 : f32 to vector<512x2048xf32>
    %select_n3A_285 = arith.select %eq3A_282, %broadcast_in_dim3A_284, %select_n3A_276 : vector<512x2048xi1>, vector<512x2048xf32>
    %argmin3A_286 = tpu.reduce_index %select_n3A_285 {axis = 1 : i32, kind = #tpu.reduction_kind<arg_min>} : vector<512x2048xf32> -> vector<512xi32>
    %add3A_287 = vector.broadcast %mul3A_53 : i32 to vector<512xi32>
    %add3A_288 = arith.addi %argmin3A_286, %add3A_287 : vector<512xi32>
    %broadcast_in_dim3A_289 = vector.shape_cast %argmin3A_286 : vector<512xi32> to vector<512x1xi32>
    %eq3A_290 = vector.broadcast %broadcast_in_dim3A_289 : vector<512x1xi32> to vector<512x2048xi32>
    %eq3A_291 = arith.cmpi eq, %iota3A_54, %eq3A_290 : vector<512x2048xi32>
    %jit3A_292 = arith.constant 1.000000e+30 : f32
    %broadcast_in_dim3A_293 = vector.broadcast %jit3A_292 : f32 to vector<512x2048xf32>
    %select_n3A_294 = arith.select %eq3A_291, %broadcast_in_dim3A_293, %select_n3A_285 : vector<512x2048xi1>, vector<512x2048xf32>
    %argmin3A_295 = tpu.reduce_index %select_n3A_294 {axis = 1 : i32, kind = #tpu.reduction_kind<arg_min>} : vector<512x2048xf32> -> vector<512xi32>
    %add3A_296 = vector.broadcast %mul3A_53 : i32 to vector<512xi32>
    %add3A_297 = arith.addi %argmin3A_295, %add3A_296 : vector<512xi32>
    %broadcast_in_dim3A_298 = vector.shape_cast %argmin3A_295 : vector<512xi32> to vector<512x1xi32>
    %eq3A_299 = vector.broadcast %broadcast_in_dim3A_298 : vector<512x1xi32> to vector<512x2048xi32>
    %eq3A_300 = arith.cmpi eq, %iota3A_54, %eq3A_299 : vector<512x2048xi32>
    %jit3A_301 = arith.constant 1.000000e+30 : f32
    %broadcast_in_dim3A_302 = vector.broadcast %jit3A_301 : f32 to vector<512x2048xf32>
    %select_n3A_303 = arith.select %eq3A_300, %broadcast_in_dim3A_302, %select_n3A_294 : vector<512x2048xi1>, vector<512x2048xf32>
    %argmin3A_304 = tpu.reduce_index %select_n3A_303 {axis = 1 : i32, kind = #tpu.reduction_kind<arg_min>} : vector<512x2048xf32> -> vector<512xi32>
    %add3A_305 = vector.broadcast %mul3A_53 : i32 to vector<512xi32>
    %add3A_306 = arith.addi %argmin3A_304, %add3A_305 : vector<512xi32>
    %broadcast_in_dim3A_307 = vector.shape_cast %argmin3A_304 : vector<512xi32> to vector<512x1xi32>
    %eq3A_308 = vector.broadcast %broadcast_in_dim3A_307 : vector<512x1xi32> to vector<512x2048xi32>
    %eq3A_309 = arith.cmpi eq, %iota3A_54, %eq3A_308 : vector<512x2048xi32>
    %jit3A_310 = arith.constant 1.000000e+30 : f32
    %broadcast_in_dim3A_311 = vector.broadcast %jit3A_310 : f32 to vector<512x2048xf32>
    %select_n3A_312 = arith.select %eq3A_309, %broadcast_in_dim3A_311, %select_n3A_303 : vector<512x2048xi1>, vector<512x2048xf32>
    %argmin3A_313 = tpu.reduce_index %select_n3A_312 {axis = 1 : i32, kind = #tpu.reduction_kind<arg_min>} : vector<512x2048xf32> -> vector<512xi32>
    %add3A_314 = vector.broadcast %mul3A_53 : i32 to vector<512xi32>
    %add3A_315 = arith.addi %argmin3A_313, %add3A_314 : vector<512xi32>
    %broadcast_in_dim3A_316 = vector.shape_cast %argmin3A_313 : vector<512xi32> to vector<512x1xi32>
    %eq3A_317 = vector.broadcast %broadcast_in_dim3A_316 : vector<512x1xi32> to vector<512x2048xi32>
    %eq3A_318 = arith.cmpi eq, %iota3A_54, %eq3A_317 : vector<512x2048xi32>
    %jit3A_319 = arith.constant 1.000000e+30 : f32
    %broadcast_in_dim3A_320 = vector.broadcast %jit3A_319 : f32 to vector<512x2048xf32>
    %select_n3A_321 = arith.select %eq3A_318, %broadcast_in_dim3A_320, %select_n3A_312 : vector<512x2048xi1>, vector<512x2048xf32>
    %argmin3A_322 = tpu.reduce_index %select_n3A_321 {axis = 1 : i32, kind = #tpu.reduction_kind<arg_min>} : vector<512x2048xf32> -> vector<512xi32>
    %add3A_323 = vector.broadcast %mul3A_53 : i32 to vector<512xi32>
    %add3A_324 = arith.addi %argmin3A_322, %add3A_323 : vector<512xi32>
    %broadcast_in_dim3A_325 = vector.shape_cast %argmin3A_322 : vector<512xi32> to vector<512x1xi32>
    %eq3A_326 = vector.broadcast %broadcast_in_dim3A_325 : vector<512x1xi32> to vector<512x2048xi32>
    %eq3A_327 = arith.cmpi eq, %iota3A_54, %eq3A_326 : vector<512x2048xi32>
    %jit3A_328 = arith.constant 1.000000e+30 : f32
    %broadcast_in_dim3A_329 = vector.broadcast %jit3A_328 : f32 to vector<512x2048xf32>
    %select_n3A_330 = arith.select %eq3A_327, %broadcast_in_dim3A_329, %select_n3A_321 : vector<512x2048xi1>, vector<512x2048xf32>
    %argmin3A_331 = tpu.reduce_index %select_n3A_330 {axis = 1 : i32, kind = #tpu.reduction_kind<arg_min>} : vector<512x2048xf32> -> vector<512xi32>
    %add3A_332 = vector.broadcast %mul3A_53 : i32 to vector<512xi32>
    %add3A_333 = arith.addi %argmin3A_331, %add3A_332 : vector<512xi32>
    %stack3A = vector.shape_cast %add3A_56 : vector<512xi32> to vector<512x1xi32>
    %stack3A_334 = vector.shape_cast %add3A_63 : vector<512xi32> to vector<512x1xi32>
    %stack3A_335 = vector.shape_cast %add3A_72 : vector<512xi32> to vector<512x1xi32>
    %stack3A_336 = vector.shape_cast %add3A_81 : vector<512xi32> to vector<512x1xi32>
    %stack3A_337 = vector.shape_cast %add3A_90 : vector<512xi32> to vector<512x1xi32>
    %stack3A_338 = vector.shape_cast %add3A_99 : vector<512xi32> to vector<512x1xi32>
    %stack3A_339 = vector.shape_cast %add3A_108 : vector<512xi32> to vector<512x1xi32>
    %stack3A_340 = vector.shape_cast %add3A_117 : vector<512xi32> to vector<512x1xi32>
    %stack3A_341 = vector.shape_cast %add3A_126 : vector<512xi32> to vector<512x1xi32>
    %stack3A_342 = vector.shape_cast %add3A_135 : vector<512xi32> to vector<512x1xi32>
    %stack3A_343 = vector.shape_cast %add3A_144 : vector<512xi32> to vector<512x1xi32>
    %stack3A_344 = vector.shape_cast %add3A_153 : vector<512xi32> to vector<512x1xi32>
    %stack3A_345 = vector.shape_cast %add3A_162 : vector<512xi32> to vector<512x1xi32>
    %stack3A_346 = vector.shape_cast %add3A_171 : vector<512xi32> to vector<512x1xi32>
    %stack3A_347 = vector.shape_cast %add3A_180 : vector<512xi32> to vector<512x1xi32>
    %stack3A_348 = vector.shape_cast %add3A_189 : vector<512xi32> to vector<512x1xi32>
    %stack3A_349 = vector.shape_cast %add3A_198 : vector<512xi32> to vector<512x1xi32>
    %stack3A_350 = vector.shape_cast %add3A_207 : vector<512xi32> to vector<512x1xi32>
    %stack3A_351 = vector.shape_cast %add3A_216 : vector<512xi32> to vector<512x1xi32>
    %stack3A_352 = vector.shape_cast %add3A_225 : vector<512xi32> to vector<512x1xi32>
    %stack3A_353 = vector.shape_cast %add3A_234 : vector<512xi32> to vector<512x1xi32>
    %stack3A_354 = vector.shape_cast %add3A_243 : vector<512xi32> to vector<512x1xi32>
    %stack3A_355 = vector.shape_cast %add3A_252 : vector<512xi32> to vector<512x1xi32>
    %stack3A_356 = vector.shape_cast %add3A_261 : vector<512xi32> to vector<512x1xi32>
    %stack3A_357 = vector.shape_cast %add3A_270 : vector<512xi32> to vector<512x1xi32>
    %stack3A_358 = vector.shape_cast %add3A_279 : vector<512xi32> to vector<512x1xi32>
    %stack3A_359 = vector.shape_cast %add3A_288 : vector<512xi32> to vector<512x1xi32>
    %stack3A_360 = vector.shape_cast %add3A_297 : vector<512xi32> to vector<512x1xi32>
    %stack3A_361 = vector.shape_cast %add3A_306 : vector<512xi32> to vector<512x1xi32>
    %stack3A_362 = vector.shape_cast %add3A_315 : vector<512xi32> to vector<512x1xi32>
    %stack3A_363 = vector.shape_cast %add3A_324 : vector<512xi32> to vector<512x1xi32>
    %stack3A_364 = vector.shape_cast %add3A_333 : vector<512xi32> to vector<512x1xi32>
    %stack3A_365 = tpu.concatenate %stack3A, %stack3A_334, %stack3A_335, %stack3A_336, %stack3A_337, %stack3A_338, %stack3A_339, %stack3A_340, %stack3A_341, %stack3A_342, %stack3A_343, %stack3A_344, %stack3A_345, %stack3A_346, %stack3A_347, %stack3A_348, %stack3A_349, %stack3A_350, %stack3A_351, %stack3A_352, %stack3A_353, %stack3A_354, %stack3A_355, %stack3A_356, %stack3A_357, %stack3A_358, %stack3A_359, %stack3A_360, %stack3A_361, %stack3A_362, %stack3A_363, %stack3A_364 in 1 : vector<512x1xi32>, vector<512x1xi32>, vector<512x1xi32>, vector<512x1xi32>, vector<512x1xi32>, vector<512x1xi32>, vector<512x1xi32>, vector<512x1xi32>, vector<512x1xi32>, vector<512x1xi32>, vector<512x1xi32>, vector<512x1xi32>, vector<512x1xi32>, vector<512x1xi32>, vector<512x1xi32>, vector<512x1xi32>, vector<512x1xi32>, vector<512x1xi32>, vector<512x1xi32>, vector<512x1xi32>, vector<512x1xi32>, vector<512x1xi32>, vector<512x1xi32>, vector<512x1xi32>, vector<512x1xi32>, vector<512x1xi32>, vector<512x1xi32>, vector<512x1xi32>, vector<512x1xi32>, vector<512x1xi32>, vector<512x1xi32>, vector<512x1xi32> -> vector<512x32xi32>
    %swap3A_366 = arith.constant 0 : index
    %swap3A_367 = arith.constant 0 : index
    %swap3A_368 = arith.constant 0 : index
    %swap3A_369 = vector.load %arg4[%swap3A_366, %swap3A_367, %swap3A_368] : memref<1x512x32xi32, #tpu.memory_space<vmem>>, vector<1x512x32xi32>
    %swap3A_370 = vector.shape_cast %swap3A_369 : vector<1x512x32xi32> to vector<512x32xi32>
    %swap3A_371 = vector.shape_cast %stack3A_365 : vector<512x32xi32> to vector<1x512x32xi32>
    tpu.vector_store %arg4[%swap3A_366, %swap3A_367, %swap3A_368], %swap3A_371 {strides = array<i32>} : memref<1x512x32xi32, #tpu.memory_space<vmem>>, vector<1x512x32xi32>,
    return
  }
  func.func @transform_0(%arg0: i32) -> (i32, i32, i32) {
    %c0_i32 = arith.constant 0 : i32
    %c0_i32_0 = arith.constant 0 : i32
    %c0_i32_1 = arith.constant 0 : i32
    return %arg0, %c0_i32, %c0_i32_0 : i32, i32, i32
  }
  func.func @transform_1(%arg0: i32) -> (i32, i32, i32) {
    %c0_i32 = arith.constant 0 : i32
    %c0_i32_0 = arith.constant 0 : i32
    %c0_i32_1 = arith.constant 0 : i32
    return %arg0, %c0_i32, %c0_i32_0 : i32, i32, i32
  }
  func.func @transform_2(%arg0: i32) -> (i32, i32, i32) {
    %c0_i32 = arith.constant 0 : i32
    %c0_i32_0 = arith.constant 0 : i32
    %c0_i32_1 = arith.constant 0 : i32
    return %arg0, %c0_i32, %c0_i32_0 : i32, i32, i32
  }
  func.func @transform_3(%arg0: i32) -> (i32, i32, i32) {
    %c0_i32 = arith.constant 0 : i32
    %c0_i32_0 = arith.constant 0 : i32
    %c0_i32_1 = arith.constant 0 : i32
    return %arg0, %c0_i32, %c0_i32_0 : i32, i32, i32
  }
}

module attributes {stable_mosaic.version = 14 : i64} {
  func.func @_l0_body(%arg0: i32, %arg1: memref<4096x128xf32, #tpu.memory_space<vmem>>, %arg2: memref<4096x24xf32, #tpu.memory_space<vmem>>, %arg3: memref<64x128xf32, #tpu.memory_space<vmem>>, %arg4: memref<64x24xf32, #tpu.memory_space<vmem>>, %arg5: memref<8x64xf32, #tpu.memory_space<vmem>>, %arg6: memref<4096x64xf32, #tpu.memory_space<vmem>>, %arg7: memref<1x1x64xf32, #tpu.memory_space<vmem>>, %arg8: memref<1x1x64xf32, #tpu.memory_space<vmem>>) attributes {dimension_semantics = [#tpu.dimension_semantics<arbitrary>], iteration_bounds = array<i64: 32>, scalar_prefetch = 0 : i64, scratch_operands = 0 : i64, tpu.core_type = #tpu.core_type<tc>, window_params = [{transform_indices = @transform_0, window_bounds = array<i64: 4096, 128>}, {transform_indices = @transform_1, window_bounds = array<i64: 4096, 24>}, {pipeline_mode = #tpu.pipeline_mode<synchronous>, transform_indices = @transform_2, window_bounds = array<i64: 64, 128>}, {pipeline_mode = #tpu.pipeline_mode<synchronous>, transform_indices = @transform_3, window_bounds = array<i64: 64, 24>}, {pipeline_mode = #tpu.pipeline_mode<synchronous>, transform_indices = @transform_4, window_bounds = array<i64: 8, 64>}, {transform_indices = @transform_5, window_bounds = array<i64: 4096, 64>}, {pipeline_mode = #tpu.pipeline_mode<synchronous>, transform_indices = @transform_6, window_bounds = array<i64: 1, 1, 64>}, {pipeline_mode = #tpu.pipeline_mode<synchronous>, transform_indices = @transform_7, window_bounds = array<i64: 1, 1, 64>}]} {
    %get3A = arith.constant 0 : index
    %get3A_0 = arith.constant 0 : index
    %get3A_1 = vector.load %arg1[%get3A, %get3A_0] : memref<4096x128xf32, #tpu.memory_space<vmem>>, vector<4096x128xf32>
    %get3A_2 = arith.constant 0 : index
    %get3A_3 = arith.constant 0 : index
    %get3A_4 = vector.load %arg2[%get3A_2, %get3A_3] : memref<4096x24xf32, #tpu.memory_space<vmem>>, vector<4096x24xf32>
    %get3A_5 = arith.constant 0 : index
    %get3A_6 = arith.constant 0 : index
    %get3A_7 = vector.load %arg3[%get3A_5, %get3A_6] : memref<64x128xf32, #tpu.memory_space<vmem>>, vector<64x128xf32>
    %dot_general3A = arith.constant dense<0.000000e+00> : vector<4096x64xf32>
    %dot_general3A_8 = tpu.matmul %get3A_1, %get3A_7, %dot_general3A {dimension_numbers = #tpu.dot_dimension_numbers<[1], [1], [0], [0], [0, 0, 1, 0], [], []>, transpose_lhs_hint = false} : vector<4096x128xf32>, vector<64x128xf32>, vector<4096x64xf32> -> vector<4096x64xf32>
    %get3A_9 = arith.constant 0 : index
    %get3A_10 = arith.constant 0 : index
    %get3A_11 = vector.load %arg4[%get3A_9, %get3A_10] : memref<64x24xf32, #tpu.memory_space<vmem>>, vector<64x24xf32>
    %dot_general3A_12 = arith.constant dense<0.000000e+00> : vector<4096x64xf32>
    %dot_general3A_13 = tpu.matmul %get3A_4, %get3A_11, %dot_general3A_12 {dimension_numbers = #tpu.dot_dimension_numbers<[1], [1], [0], [0], [0, 0, 1, 0], [], []>, transpose_lhs_hint = false} : vector<4096x24xf32>, vector<64x24xf32>, vector<4096x64xf32> -> vector<4096x64xf32>
    %add3A = arith.addf %dot_general3A_8, %dot_general3A_13 : vector<4096x64xf32>
    %slice3A = vector.extract_strided_slice %get3A_1 {offsets = [0, 0], sizes = [4096, 3], strides = [1, 1]} : vector<4096x128xf32> to vector<4096x3xf32>
    %slice3A_14 = vector.extract_strided_slice %get3A_4 {offsets = [0, 0], sizes = [4096, 3], strides = [1, 1]} : vector<4096x24xf32> to vector<4096x3xf32>
    %sub3A = arith.subf %slice3A, %slice3A_14 : vector<4096x3xf32>
    %mul3A = arith.mulf %sub3A, %sub3A : vector<4096x3xf32>
    %reduce_sum3A = arith.constant dense<0.000000e+00> : vector<4096xf32>
    %reduce_sum3A_15 = vector.multi_reduction <add>, %mul3A, %reduce_sum3A [1] : vector<4096x3xf32> to vector<4096xf32>
    %gt3A = arith.constant 0.000000e+00 : f32
    %gt3A_16 = vector.broadcast %gt3A : f32 to vector<4096xf32>
    %gt3A_17 = arith.cmpf ogt, %reduce_sum3A_15, %gt3A_16 : vector<4096xf32>
    %gt3A_18 = arith.constant 0.000000e+00 : f32
    %gt3A_19 = vector.broadcast %gt3A_18 : f32 to vector<4096xf32>
    %gt3A_20 = arith.cmpf ogt, %reduce_sum3A_15, %gt3A_19 : vector<4096xf32>
    %jit3A = arith.constant 1.000000e+00 : f32
    %broadcast_in_dim3A = vector.broadcast %jit3A : f32 to vector<4096xf32>
    %select_n3A = arith.select %gt3A_20, %reduce_sum3A_15, %broadcast_in_dim3A : vector<4096xi1>, vector<4096xf32>
    %sqrt3A = math.sqrt %select_n3A : vector<4096xf32>
    %jit3A_21 = arith.constant 0.000000e+00 : f32
    %broadcast_in_dim3A_22 = vector.broadcast %jit3A_21 : f32 to vector<4096xf32>
    %select_n3A_23 = arith.select %gt3A_17, %sqrt3A, %broadcast_in_dim3A_22 : vector<4096xi1>, vector<4096xf32>
    %broadcast_in_dim3A_24 = vector.shape_cast %select_n3A_23 : vector<4096xf32> to vector<4096x1xf32>
    %get3A_25 = arith.constant 0 : index
    %get3A_26 = arith.constant 0 : index
    %get3A_27 = vector.load %arg5[%get3A_25, %get3A_26] : memref<8x64xf32, #tpu.memory_space<vmem>>, vector<1x64xf32>
    %mul3A_28 = vector.broadcast %broadcast_in_dim3A_24 : vector<4096x1xf32> to vector<4096x64xf32>
    %mul3A_29 = vector.broadcast %get3A_27 : vector<1x64xf32> to vector<4096x64xf32>
    %mul3A_30 = arith.mulf %mul3A_28, %mul3A_29 : vector<4096x64xf32>
    %add3A_31 = arith.addf %add3A, %mul3A_30 : vector<4096x64xf32>
    %get3A_32 = arith.constant 1 : index
    %get3A_33 = arith.constant 0 : index
    %get3A_34 = vector.load %arg5[%get3A_32, %get3A_33] : memref<8x64xf32, #tpu.memory_space<vmem>>, vector<1x64xf32>
    %add3A_35 = vector.broadcast %get3A_34 : vector<1x64xf32> to vector<4096x64xf32>
    %add3A_36 = arith.addf %add3A_31, %add3A_35 : vector<4096x64xf32>
    %swap3A = arith.constant 0 : index
    %swap3A_37 = arith.constant 0 : index
    %swap3A_38 = vector.load %arg6[%swap3A, %swap3A_37] : memref<4096x64xf32, #tpu.memory_space<vmem>>, vector<4096x64xf32>
    tpu.vector_store %arg6[%swap3A, %swap3A_37], %add3A_36 {strides = array<i32>} : memref<4096x64xf32, #tpu.memory_space<vmem>>, vector<4096x64xf32>,
    %eq3A = arith.constant 0 : i32
    %eq3A_39 = arith.cmpi eq, %arg0, %eq3A : i32
    %convert_element_type3A = arith.extui %eq3A_39 : i1 to i32
    %cond3A = arith.constant 0 : i32
    %cond3A_40 = arith.cmpi ne, %convert_element_type3A, %cond3A : i32
    scf.if %cond3A_40 {
      %broadcast_in_dim3A_66 = arith.constant 0.000000e+00 : f32
      %broadcast_in_dim3A_67 = vector.broadcast %broadcast_in_dim3A_66 : f32 to vector<1x1x64xf32>
      %swap3A_68 = arith.constant 0 : index
      %swap3A_69 = arith.constant 0 : index
      %swap3A_70 = arith.constant 0 : index
      %swap3A_71 = vector.load %arg7[%swap3A_68, %swap3A_69, %swap3A_70] : memref<1x1x64xf32, #tpu.memory_space<vmem>>, vector<1x1x64xf32>
      tpu.vector_store %arg7[%swap3A_68, %swap3A_69, %swap3A_70], %broadcast_in_dim3A_67 {strides = array<i32>} : memref<1x1x64xf32, #tpu.memory_space<vmem>>, vector<1x1x64xf32>,
      %broadcast_in_dim3A_72 = arith.constant 0.000000e+00 : f32
      %broadcast_in_dim3A_73 = vector.broadcast %broadcast_in_dim3A_72 : f32 to vector<1x1x64xf32>
      %swap3A_74 = arith.constant 0 : index
      %swap3A_75 = arith.constant 0 : index
      %swap3A_76 = arith.constant 0 : index
      %swap3A_77 = vector.load %arg8[%swap3A_74, %swap3A_75, %swap3A_76] : memref<1x1x64xf32, #tpu.memory_space<vmem>>, vector<1x1x64xf32>
      tpu.vector_store %arg8[%swap3A_74, %swap3A_75, %swap3A_76], %broadcast_in_dim3A_73 {strides = array<i32>} : memref<1x1x64xf32, #tpu.memory_space<vmem>>, vector<1x1x64xf32>,
    } else {
    }
    %get3A_41 = arith.constant 0 : index
    %get3A_42 = arith.constant 0 : index
    %get3A_43 = arith.constant 0 : index
    %get3A_44 = vector.load %arg7[%get3A_41, %get3A_42, %get3A_43] : memref<1x1x64xf32, #tpu.memory_space<vmem>>, vector<1x1x64xf32>
    %reduce_sum3A_45 = arith.constant dense<0.000000e+00> : vector<64xf32>
    %reduce_sum3A_46 = vector.multi_reduction <add>, %add3A_36, %reduce_sum3A_45 [0] : vector<4096x64xf32> to vector<64xf32>
    %broadcast_in_dim3A_47 = vector.shape_cast %reduce_sum3A_46 : vector<64xf32> to vector<1x1x64xf32>
    %add3A_48 = arith.addf %get3A_44, %broadcast_in_dim3A_47 : vector<1x1x64xf32>
    %swap3A_49 = arith.constant 0 : index
    %swap3A_50 = arith.constant 0 : index
    %swap3A_51 = arith.constant 0 : index
    %swap3A_52 = vector.load %arg7[%swap3A_49, %swap3A_50, %swap3A_51] : memref<1x1x64xf32, #tpu.memory_space<vmem>>, vector<1x1x64xf32>
    tpu.vector_store %arg7[%swap3A_49, %swap3A_50, %swap3A_51], %add3A_48 {strides = array<i32>} : memref<1x1x64xf32, #tpu.memory_space<vmem>>, vector<1x1x64xf32>,
    %get3A_53 = arith.constant 0 : index
    %get3A_54 = arith.constant 0 : index
    %get3A_55 = arith.constant 0 : index
    %get3A_56 = vector.load %arg8[%get3A_53, %get3A_54, %get3A_55] : memref<1x1x64xf32, #tpu.memory_space<vmem>>, vector<1x1x64xf32>
    %mul3A_57 = arith.mulf %add3A_36, %add3A_36 : vector<4096x64xf32>
    %reduce_sum3A_58 = arith.constant dense<0.000000e+00> : vector<64xf32>
    %reduce_sum3A_59 = vector.multi_reduction <add>, %mul3A_57, %reduce_sum3A_58 [0] : vector<4096x64xf32> to vector<64xf32>
    %broadcast_in_dim3A_60 = vector.shape_cast %reduce_sum3A_59 : vector<64xf32> to vector<1x1x64xf32>
    %add3A_61 = arith.addf %get3A_56, %broadcast_in_dim3A_60 : vector<1x1x64xf32>
    %swap3A_62 = arith.constant 0 : index
    %swap3A_63 = arith.constant 0 : index
    %swap3A_64 = arith.constant 0 : index
    %swap3A_65 = vector.load %arg8[%swap3A_62, %swap3A_63, %swap3A_64] : memref<1x1x64xf32, #tpu.memory_space<vmem>>, vector<1x1x64xf32>
    tpu.vector_store %arg8[%swap3A_62, %swap3A_63, %swap3A_64], %add3A_61 {strides = array<i32>} : memref<1x1x64xf32, #tpu.memory_space<vmem>>, vector<1x1x64xf32>,
    return
  }
  func.func @transform_0(%arg0: i32) -> (i32, i32) {
    %c0_i32 = arith.constant 0 : i32
    %c0_i32_0 = arith.constant 0 : i32
    return %arg0, %c0_i32 : i32, i32
  }
  func.func @transform_1(%arg0: i32) -> (i32, i32) {
    %c0_i32 = arith.constant 0 : i32
    %c0_i32_0 = arith.constant 0 : i32
    return %arg0, %c0_i32 : i32, i32
  }
  func.func @transform_2(%arg0: i32) -> (i32, i32) {
    %c0_i32 = arith.constant 0 : i32
    %c0_i32_0 = arith.constant 0 : i32
    %c0_i32_1 = arith.constant 0 : i32
    return %c0_i32, %c0_i32_0 : i32, i32
  }
  func.func @transform_3(%arg0: i32) -> (i32, i32) {
    %c0_i32 = arith.constant 0 : i32
    %c0_i32_0 = arith.constant 0 : i32
    %c0_i32_1 = arith.constant 0 : i32
    return %c0_i32, %c0_i32_0 : i32, i32
  }
  func.func @transform_4(%arg0: i32) -> (i32, i32) {
    %c0_i32 = arith.constant 0 : i32
    %c0_i32_0 = arith.constant 0 : i32
    %c0_i32_1 = arith.constant 0 : i32
    return %c0_i32, %c0_i32_0 : i32, i32
  }
  func.func @transform_5(%arg0: i32) -> (i32, i32) {
    %c0_i32 = arith.constant 0 : i32
    %c0_i32_0 = arith.constant 0 : i32
    return %arg0, %c0_i32 : i32, i32
  }
  func.func @transform_6(%arg0: i32) -> (i32, i32, i32) {
    %c0_i32 = arith.constant 0 : i32
    %c0_i32_0 = arith.constant 0 : i32
    %c0_i32_1 = arith.constant 0 : i32
    %c0_i32_2 = arith.constant 0 : i32
    return %c0_i32, %c0_i32_0, %c0_i32_1 : i32, i32, i32
  }
  func.func @transform_7(%arg0: i32) -> (i32, i32, i32) {
    %c0_i32 = arith.constant 0 : i32
    %c0_i32_0 = arith.constant 0 : i32
    %c0_i32_1 = arith.constant 0 : i32
    %c0_i32_2 = arith.constant 0 : i32
    return %c0_i32, %c0_i32_0, %c0_i32_1 : i32, i32, i32
  }
}

module attributes {stable_mosaic.version = 14 : i64} {
  func.func @_mid_body(%arg0: i32, %arg1: memref<4096x64xf32, #tpu.memory_space<vmem>>, %arg2: memref<64x64xf32, #tpu.memory_space<vmem>>, %arg3: memref<8x128xf32, #tpu.memory_space<vmem>>, %arg4: memref<4096x64xf32, #tpu.memory_space<vmem>>, %arg5: memref<1x1x64xf32, #tpu.memory_space<vmem>>, %arg6: memref<1x1x64xf32, #tpu.memory_space<vmem>>) attributes {dimension_semantics = [#tpu.dimension_semantics<arbitrary>], iteration_bounds = array<i64: 32>, scalar_prefetch = 0 : i64, scratch_operands = 0 : i64, tpu.core_type = #tpu.core_type<tc>, window_params = [{transform_indices = @transform_0, window_bounds = array<i64: 4096, 64>}, {pipeline_mode = #tpu.pipeline_mode<synchronous>, transform_indices = @transform_1, window_bounds = array<i64: 64, 64>}, {pipeline_mode = #tpu.pipeline_mode<synchronous>, transform_indices = @transform_2, window_bounds = array<i64: 8, 128>}, {transform_indices = @transform_3, window_bounds = array<i64: 4096, 64>}, {pipeline_mode = #tpu.pipeline_mode<synchronous>, transform_indices = @transform_4, window_bounds = array<i64: 1, 1, 64>}, {pipeline_mode = #tpu.pipeline_mode<synchronous>, transform_indices = @transform_5, window_bounds = array<i64: 1, 1, 64>}]} {
    %get3A = arith.constant 0 : index
    %get3A_0 = arith.constant 0 : index
    %get3A_1 = vector.load %arg1[%get3A, %get3A_0] : memref<4096x64xf32, #tpu.memory_space<vmem>>, vector<4096x64xf32>
    %get3A_2 = arith.constant 0 : index
    %get3A_3 = arith.constant 0 : index
    %get3A_4 = vector.load %arg3[%get3A_2, %get3A_3] : memref<8x128xf32, #tpu.memory_space<vmem>>, vector<1x64xf32>
    %mul3A = vector.broadcast %get3A_4 : vector<1x64xf32> to vector<4096x64xf32>
    %mul3A_5 = arith.mulf %get3A_1, %mul3A : vector<4096x64xf32>
    %get3A_6 = arith.constant 1 : index
    %get3A_7 = arith.constant 0 : index
    %get3A_8 = vector.load %arg3[%get3A_6, %get3A_7] : memref<8x128xf32, #tpu.memory_space<vmem>>, vector<1x64xf32>
    %add3A = vector.broadcast %get3A_8 : vector<1x64xf32> to vector<4096x64xf32>
    %add3A_9 = arith.addf %mul3A_5, %add3A : vector<4096x64xf32>
    %max3A = arith.constant 0.000000e+00 : f32
    %max3A_10 = vector.broadcast %max3A : f32 to vector<4096x64xf32>
    %max3A_11 = arith.maximumf %add3A_9, %max3A_10 : vector<4096x64xf32>
    %get3A_12 = arith.constant 0 : index
    %get3A_13 = arith.constant 0 : index
    %get3A_14 = vector.load %arg2[%get3A_12, %get3A_13] : memref<64x64xf32, #tpu.memory_space<vmem>>, vector<64x64xf32>
    %dot_general3A = arith.constant dense<0.000000e+00> : vector<4096x64xf32>
    %dot_general3A_15 = tpu.matmul %max3A_11, %get3A_14, %dot_general3A {dimension_numbers = #tpu.dot_dimension_numbers<[1], [1], [0], [0], [0, 0, 1, 0], [], []>, transpose_lhs_hint = false} : vector<4096x64xf32>, vector<64x64xf32>, vector<4096x64xf32> -> vector<4096x64xf32>
    %get3A_16 = arith.constant 2 : index
    %get3A_17 = arith.constant 0 : index
    %get3A_18 = vector.load %arg3[%get3A_16, %get3A_17] : memref<8x128xf32, #tpu.memory_space<vmem>>, vector<1x64xf32>
    %add3A_19 = vector.broadcast %get3A_18 : vector<1x64xf32> to vector<4096x64xf32>
    %add3A_20 = arith.addf %dot_general3A_15, %add3A_19 : vector<4096x64xf32>
    %swap3A = arith.constant 0 : index
    %swap3A_21 = arith.constant 0 : index
    %swap3A_22 = vector.load %arg4[%swap3A, %swap3A_21] : memref<4096x64xf32, #tpu.memory_space<vmem>>, vector<4096x64xf32>
    tpu.vector_store %arg4[%swap3A, %swap3A_21], %add3A_20 {strides = array<i32>} : memref<4096x64xf32, #tpu.memory_space<vmem>>, vector<4096x64xf32>,
    %eq3A = arith.constant 0 : i32
    %eq3A_23 = arith.cmpi eq, %arg0, %eq3A : i32
    %convert_element_type3A = arith.extui %eq3A_23 : i1 to i32
    %cond3A = arith.constant 0 : i32
    %cond3A_24 = arith.cmpi ne, %convert_element_type3A, %cond3A : i32
    scf.if %cond3A_24 {
      %broadcast_in_dim3A_48 = arith.constant 0.000000e+00 : f32
      %broadcast_in_dim3A_49 = vector.broadcast %broadcast_in_dim3A_48 : f32 to vector<1x1x64xf32>
      %swap3A_50 = arith.constant 0 : index
      %swap3A_51 = arith.constant 0 : index
      %swap3A_52 = arith.constant 0 : index
      %swap3A_53 = vector.load %arg5[%swap3A_50, %swap3A_51, %swap3A_52] : memref<1x1x64xf32, #tpu.memory_space<vmem>>, vector<1x1x64xf32>
      tpu.vector_store %arg5[%swap3A_50, %swap3A_51, %swap3A_52], %broadcast_in_dim3A_49 {strides = array<i32>} : memref<1x1x64xf32, #tpu.memory_space<vmem>>, vector<1x1x64xf32>,
      %broadcast_in_dim3A_54 = arith.constant 0.000000e+00 : f32
      %broadcast_in_dim3A_55 = vector.broadcast %broadcast_in_dim3A_54 : f32 to vector<1x1x64xf32>
      %swap3A_56 = arith.constant 0 : index
      %swap3A_57 = arith.constant 0 : index
      %swap3A_58 = arith.constant 0 : index
      %swap3A_59 = vector.load %arg6[%swap3A_56, %swap3A_57, %swap3A_58] : memref<1x1x64xf32, #tpu.memory_space<vmem>>, vector<1x1x64xf32>
      tpu.vector_store %arg6[%swap3A_56, %swap3A_57, %swap3A_58], %broadcast_in_dim3A_55 {strides = array<i32>} : memref<1x1x64xf32, #tpu.memory_space<vmem>>, vector<1x1x64xf32>,
    } else {
    }
    %get3A_25 = arith.constant 0 : index
    %get3A_26 = arith.constant 0 : index
    %get3A_27 = arith.constant 0 : index
    %get3A_28 = vector.load %arg5[%get3A_25, %get3A_26, %get3A_27] : memref<1x1x64xf32, #tpu.memory_space<vmem>>, vector<1x1x64xf32>
    %reduce_sum3A = arith.constant dense<0.000000e+00> : vector<64xf32>
    %reduce_sum3A_29 = vector.multi_reduction <add>, %add3A_20, %reduce_sum3A [0] : vector<4096x64xf32> to vector<64xf32>
    %broadcast_in_dim3A = vector.shape_cast %reduce_sum3A_29 : vector<64xf32> to vector<1x1x64xf32>
    %add3A_30 = arith.addf %get3A_28, %broadcast_in_dim3A : vector<1x1x64xf32>
    %swap3A_31 = arith.constant 0 : index
    %swap3A_32 = arith.constant 0 : index
    %swap3A_33 = arith.constant 0 : index
    %swap3A_34 = vector.load %arg5[%swap3A_31, %swap3A_32, %swap3A_33] : memref<1x1x64xf32, #tpu.memory_space<vmem>>, vector<1x1x64xf32>
    tpu.vector_store %arg5[%swap3A_31, %swap3A_32, %swap3A_33], %add3A_30 {strides = array<i32>} : memref<1x1x64xf32, #tpu.memory_space<vmem>>, vector<1x1x64xf32>,
    %get3A_35 = arith.constant 0 : index
    %get3A_36 = arith.constant 0 : index
    %get3A_37 = arith.constant 0 : index
    %get3A_38 = vector.load %arg6[%get3A_35, %get3A_36, %get3A_37] : memref<1x1x64xf32, #tpu.memory_space<vmem>>, vector<1x1x64xf32>
    %mul3A_39 = arith.mulf %add3A_20, %add3A_20 : vector<4096x64xf32>
    %reduce_sum3A_40 = arith.constant dense<0.000000e+00> : vector<64xf32>
    %reduce_sum3A_41 = vector.multi_reduction <add>, %mul3A_39, %reduce_sum3A_40 [0] : vector<4096x64xf32> to vector<64xf32>
    %broadcast_in_dim3A_42 = vector.shape_cast %reduce_sum3A_41 : vector<64xf32> to vector<1x1x64xf32>
    %add3A_43 = arith.addf %get3A_38, %broadcast_in_dim3A_42 : vector<1x1x64xf32>
    %swap3A_44 = arith.constant 0 : index
    %swap3A_45 = arith.constant 0 : index
    %swap3A_46 = arith.constant 0 : index
    %swap3A_47 = vector.load %arg6[%swap3A_44, %swap3A_45, %swap3A_46] : memref<1x1x64xf32, #tpu.memory_space<vmem>>, vector<1x1x64xf32>
    tpu.vector_store %arg6[%swap3A_44, %swap3A_45, %swap3A_46], %add3A_43 {strides = array<i32>} : memref<1x1x64xf32, #tpu.memory_space<vmem>>, vector<1x1x64xf32>,
    return
  }
  func.func @transform_0(%arg0: i32) -> (i32, i32) {
    %c0_i32 = arith.constant 0 : i32
    %c0_i32_0 = arith.constant 0 : i32
    return %arg0, %c0_i32 : i32, i32
  }
  func.func @transform_1(%arg0: i32) -> (i32, i32) {
    %c0_i32 = arith.constant 0 : i32
    %c0_i32_0 = arith.constant 0 : i32
    %c0_i32_1 = arith.constant 0 : i32
    return %c0_i32, %c0_i32_0 : i32, i32
  }
  func.func @transform_2(%arg0: i32) -> (i32, i32) {
    %c0_i32 = arith.constant 0 : i32
    %c0_i32_0 = arith.constant 0 : i32
    %c0_i32_1 = arith.constant 0 : i32
    return %c0_i32, %c0_i32_0 : i32, i32
  }
  func.func @transform_3(%arg0: i32) -> (i32, i32) {
    %c0_i32 = arith.constant 0 : i32
    %c0_i32_0 = arith.constant 0 : i32
    return %arg0, %c0_i32 : i32, i32
  }
  func.func @transform_4(%arg0: i32) -> (i32, i32, i32) {
    %c0_i32 = arith.constant 0 : i32
    %c0_i32_0 = arith.constant 0 : i32
    %c0_i32_1 = arith.constant 0 : i32
    %c0_i32_2 = arith.constant 0 : i32
    return %c0_i32, %c0_i32_0, %c0_i32_1 : i32, i32, i32
  }
  func.func @transform_5(%arg0: i32) -> (i32, i32, i32) {
    %c0_i32 = arith.constant 0 : i32
    %c0_i32_0 = arith.constant 0 : i32
    %c0_i32_1 = arith.constant 0 : i32
    %c0_i32_2 = arith.constant 0 : i32
    return %c0_i32, %c0_i32_0, %c0_i32_1 : i32, i32, i32
  }
}

module attributes {stable_mosaic.version = 14 : i64} {
  func.func @_last_body(%arg0: i32, %arg1: memref<4096x64xf32, #tpu.memory_space<vmem>>, %arg2: memref<128x64xf32, #tpu.memory_space<vmem>>, %arg3: memref<8x128xf32, #tpu.memory_space<vmem>>, %arg4: memref<128x128xf32, #tpu.memory_space<vmem>>, %arg5: memref<128x128xf32, #tpu.memory_space<vmem>>, %arg6: memref<1x1x128xf32, #tpu.memory_space<vmem>>, %arg7: memref<1x1x128xf32, #tpu.memory_space<vmem>>) attributes {dimension_semantics = [#tpu.dimension_semantics<arbitrary>], iteration_bounds = array<i64: 32>, scalar_prefetch = 0 : i64, scratch_operands = 0 : i64, tpu.core_type = #tpu.core_type<tc>, window_params = [{transform_indices = @transform_0, window_bounds = array<i64: 4096, 64>}, {pipeline_mode = #tpu.pipeline_mode<synchronous>, transform_indices = @transform_1, window_bounds = array<i64: 128, 64>}, {pipeline_mode = #tpu.pipeline_mode<synchronous>, transform_indices = @transform_2, window_bounds = array<i64: 8, 128>}, {transform_indices = @transform_3, window_bounds = array<i64: 128, 128>}, {transform_indices = @transform_4, window_bounds = array<i64: 128, 128>}, {pipeline_mode = #tpu.pipeline_mode<synchronous>, transform_indices = @transform_5, window_bounds = array<i64: 1, 1, 128>}, {pipeline_mode = #tpu.pipeline_mode<synchronous>, transform_indices = @transform_6, window_bounds = array<i64: 1, 1, 128>}]} {
    %get3A = arith.constant 0 : index
    %get3A_0 = arith.constant 0 : index
    %get3A_1 = vector.load %arg1[%get3A, %get3A_0] : memref<4096x64xf32, #tpu.memory_space<vmem>>, vector<4096x64xf32>
    %get3A_2 = arith.constant 0 : index
    %get3A_3 = arith.constant 0 : index
    %get3A_4 = vector.load %arg3[%get3A_2, %get3A_3] : memref<8x128xf32, #tpu.memory_space<vmem>>, vector<1x64xf32>
    %mul3A = vector.broadcast %get3A_4 : vector<1x64xf32> to vector<4096x64xf32>
    %mul3A_5 = arith.mulf %get3A_1, %mul3A : vector<4096x64xf32>
    %get3A_6 = arith.constant 1 : index
    %get3A_7 = arith.constant 0 : index
    %get3A_8 = vector.load %arg3[%get3A_6, %get3A_7] : memref<8x128xf32, #tpu.memory_space<vmem>>, vector<1x64xf32>
    %add3A = vector.broadcast %get3A_8 : vector<1x64xf32> to vector<4096x64xf32>
    %add3A_9 = arith.addf %mul3A_5, %add3A : vector<4096x64xf32>
    %max3A = arith.constant 0.000000e+00 : f32
    %max3A_10 = vector.broadcast %max3A : f32 to vector<4096x64xf32>
    %max3A_11 = arith.maximumf %add3A_9, %max3A_10 : vector<4096x64xf32>
    %get3A_12 = arith.constant 0 : index
    %get3A_13 = arith.constant 0 : index
    %get3A_14 = vector.load %arg2[%get3A_12, %get3A_13] : memref<128x64xf32, #tpu.memory_space<vmem>>, vector<128x64xf32>
    %dot_general3A = arith.constant dense<0.000000e+00> : vector<4096x128xf32>
    %dot_general3A_15 = tpu.matmul %max3A_11, %get3A_14, %dot_general3A {dimension_numbers = #tpu.dot_dimension_numbers<[1], [1], [0], [0], [0, 0, 1, 0], [], []>, transpose_lhs_hint = false} : vector<4096x64xf32>, vector<128x64xf32>, vector<4096x128xf32> -> vector<4096x128xf32>
    %get3A_16 = arith.constant 2 : index
    %get3A_17 = arith.constant 0 : index
    %get3A_18 = vector.load %arg3[%get3A_16, %get3A_17] : memref<8x128xf32, #tpu.memory_space<vmem>>, vector<1x128xf32>
    %add3A_19 = vector.broadcast %get3A_18 : vector<1x128xf32> to vector<4096x128xf32>
    %add3A_20 = arith.addf %dot_general3A_15, %add3A_19 : vector<4096x128xf32>
    %reshape3A = vector.shape_cast %add3A_20 : vector<4096x128xf32> to vector<128x32x128xf32>
    %reduce_max3A = arith.constant dense<0xFF800000> : vector<128x128xf32>
    %reduce_max3A_21 = vector.multi_reduction <maximumf>, %reshape3A, %reduce_max3A [1] : vector<128x32x128xf32> to vector<128x128xf32>
    %swap3A = arith.constant 0 : index
    %swap3A_22 = arith.constant 0 : index
    %swap3A_23 = vector.load %arg4[%swap3A, %swap3A_22] : memref<128x128xf32, #tpu.memory_space<vmem>>, vector<128x128xf32>
    tpu.vector_store %arg4[%swap3A, %swap3A_22], %reduce_max3A_21 {strides = array<i32>} : memref<128x128xf32, #tpu.memory_space<vmem>>, vector<128x128xf32>,
    %reduce_min3A = arith.constant dense<0x7F800000> : vector<128x128xf32>
    %reduce_min3A_24 = vector.multi_reduction <minimumf>, %reshape3A, %reduce_min3A [1] : vector<128x32x128xf32> to vector<128x128xf32>
    %swap3A_25 = arith.constant 0 : index
    %swap3A_26 = arith.constant 0 : index
    %swap3A_27 = vector.load %arg5[%swap3A_25, %swap3A_26] : memref<128x128xf32, #tpu.memory_space<vmem>>, vector<128x128xf32>
    tpu.vector_store %arg5[%swap3A_25, %swap3A_26], %reduce_min3A_24 {strides = array<i32>} : memref<128x128xf32, #tpu.memory_space<vmem>>, vector<128x128xf32>,
    %eq3A = arith.constant 0 : i32
    %eq3A_28 = arith.cmpi eq, %arg0, %eq3A : i32
    %convert_element_type3A = arith.extui %eq3A_28 : i1 to i32
    %cond3A = arith.constant 0 : i32
    %cond3A_29 = arith.cmpi ne, %convert_element_type3A, %cond3A : i32
    scf.if %cond3A_29 {
      %broadcast_in_dim3A_53 = arith.constant 0.000000e+00 : f32
      %broadcast_in_dim3A_54 = vector.broadcast %broadcast_in_dim3A_53 : f32 to vector<1x1x128xf32>
      %swap3A_55 = arith.constant 0 : index
      %swap3A_56 = arith.constant 0 : index
      %swap3A_57 = arith.constant 0 : index
      %swap3A_58 = vector.load %arg6[%swap3A_55, %swap3A_56, %swap3A_57] : memref<1x1x128xf32, #tpu.memory_space<vmem>>, vector<1x1x128xf32>
      tpu.vector_store %arg6[%swap3A_55, %swap3A_56, %swap3A_57], %broadcast_in_dim3A_54 {strides = array<i32>} : memref<1x1x128xf32, #tpu.memory_space<vmem>>, vector<1x1x128xf32>,
      %broadcast_in_dim3A_59 = arith.constant 0.000000e+00 : f32
      %broadcast_in_dim3A_60 = vector.broadcast %broadcast_in_dim3A_59 : f32 to vector<1x1x128xf32>
      %swap3A_61 = arith.constant 0 : index
      %swap3A_62 = arith.constant 0 : index
      %swap3A_63 = arith.constant 0 : index
      %swap3A_64 = vector.load %arg7[%swap3A_61, %swap3A_62, %swap3A_63] : memref<1x1x128xf32, #tpu.memory_space<vmem>>, vector<1x1x128xf32>
      tpu.vector_store %arg7[%swap3A_61, %swap3A_62, %swap3A_63], %broadcast_in_dim3A_60 {strides = array<i32>} : memref<1x1x128xf32, #tpu.memory_space<vmem>>, vector<1x1x128xf32>,
    } else {
    }
    %get3A_30 = arith.constant 0 : index
    %get3A_31 = arith.constant 0 : index
    %get3A_32 = arith.constant 0 : index
    %get3A_33 = vector.load %arg6[%get3A_30, %get3A_31, %get3A_32] : memref<1x1x128xf32, #tpu.memory_space<vmem>>, vector<1x1x128xf32>
    %reduce_sum3A = arith.constant dense<0.000000e+00> : vector<128xf32>
    %reduce_sum3A_34 = vector.multi_reduction <add>, %add3A_20, %reduce_sum3A [0] : vector<4096x128xf32> to vector<128xf32>
    %broadcast_in_dim3A = vector.shape_cast %reduce_sum3A_34 : vector<128xf32> to vector<1x1x128xf32>
    %add3A_35 = arith.addf %get3A_33, %broadcast_in_dim3A : vector<1x1x128xf32>
    %swap3A_36 = arith.constant 0 : index
    %swap3A_37 = arith.constant 0 : index
    %swap3A_38 = arith.constant 0 : index
    %swap3A_39 = vector.load %arg6[%swap3A_36, %swap3A_37, %swap3A_38] : memref<1x1x128xf32, #tpu.memory_space<vmem>>, vector<1x1x128xf32>
    tpu.vector_store %arg6[%swap3A_36, %swap3A_37, %swap3A_38], %add3A_35 {strides = array<i32>} : memref<1x1x128xf32, #tpu.memory_space<vmem>>, vector<1x1x128xf32>,
    %get3A_40 = arith.constant 0 : index
    %get3A_41 = arith.constant 0 : index
    %get3A_42 = arith.constant 0 : index
    %get3A_43 = vector.load %arg7[%get3A_40, %get3A_41, %get3A_42] : memref<1x1x128xf32, #tpu.memory_space<vmem>>, vector<1x1x128xf32>
    %mul3A_44 = arith.mulf %add3A_20, %add3A_20 : vector<4096x128xf32>
    %reduce_sum3A_45 = arith.constant dense<0.000000e+00> : vector<128xf32>
    %reduce_sum3A_46 = vector.multi_reduction <add>, %mul3A_44, %reduce_sum3A_45 [0] : vector<4096x128xf32> to vector<128xf32>
    %broadcast_in_dim3A_47 = vector.shape_cast %reduce_sum3A_46 : vector<128xf32> to vector<1x1x128xf32>
    %add3A_48 = arith.addf %get3A_43, %broadcast_in_dim3A_47 : vector<1x1x128xf32>
    %swap3A_49 = arith.constant 0 : index
    %swap3A_50 = arith.constant 0 : index
    %swap3A_51 = arith.constant 0 : index
    %swap3A_52 = vector.load %arg7[%swap3A_49, %swap3A_50, %swap3A_51] : memref<1x1x128xf32, #tpu.memory_space<vmem>>, vector<1x1x128xf32>
    tpu.vector_store %arg7[%swap3A_49, %swap3A_50, %swap3A_51], %add3A_48 {strides = array<i32>} : memref<1x1x128xf32, #tpu.memory_space<vmem>>, vector<1x1x128xf32>,
    return
  }
  func.func @transform_0(%arg0: i32) -> (i32, i32) {
    %c0_i32 = arith.constant 0 : i32
    %c0_i32_0 = arith.constant 0 : i32
    return %arg0, %c0_i32 : i32, i32
  }
  func.func @transform_1(%arg0: i32) -> (i32, i32) {
    %c0_i32 = arith.constant 0 : i32
    %c0_i32_0 = arith.constant 0 : i32
    %c0_i32_1 = arith.constant 0 : i32
    return %c0_i32, %c0_i32_0 : i32, i32
  }
  func.func @transform_2(%arg0: i32) -> (i32, i32) {
    %c0_i32 = arith.constant 0 : i32
    %c0_i32_0 = arith.constant 0 : i32
    %c0_i32_1 = arith.constant 0 : i32
    return %c0_i32, %c0_i32_0 : i32, i32
  }
  func.func @transform_3(%arg0: i32) -> (i32, i32) {
    %c0_i32 = arith.constant 0 : i32
    %c0_i32_0 = arith.constant 0 : i32
    return %arg0, %c0_i32 : i32, i32
  }
  func.func @transform_4(%arg0: i32) -> (i32, i32) {
    %c0_i32 = arith.constant 0 : i32
    %c0_i32_0 = arith.constant 0 : i32
    return %arg0, %c0_i32 : i32, i32
  }
  func.func @transform_5(%arg0: i32) -> (i32, i32, i32) {
    %c0_i32 = arith.constant 0 : i32
    %c0_i32_0 = arith.constant 0 : i32
    %c0_i32_1 = arith.constant 0 : i32
    %c0_i32_2 = arith.constant 0 : i32
    return %c0_i32, %c0_i32_0, %c0_i32_1 : i32, i32, i32
  }
  func.func @transform_6(%arg0: i32) -> (i32, i32, i32) {
    %c0_i32 = arith.constant 0 : i32
    %c0_i32_0 = arith.constant 0 : i32
    %c0_i32_1 = arith.constant 0 : i32
    %c0_i32_2 = arith.constant 0 : i32
    return %c0_i32, %c0_i32_0, %c0_i32_1 : i32, i32, i32
  }
}

module attributes {stable_mosaic.version = 14 : i64} {
  func.func @_fin_body(%arg0: i32, %arg1: memref<4096x128xf32, #tpu.memory_space<vmem>>, %arg2: memref<4096x128xf32, #tpu.memory_space<vmem>>, %arg3: memref<8x128xf32, #tpu.memory_space<vmem>>, %arg4: memref<4096x128xf32, #tpu.memory_space<vmem>>) attributes {dimension_semantics = [#tpu.dimension_semantics<arbitrary>], iteration_bounds = array<i64: 1>, scalar_prefetch = 0 : i64, scratch_operands = 0 : i64, tpu.core_type = #tpu.core_type<tc>, window_params = [{pipeline_mode = #tpu.pipeline_mode<synchronous>, transform_indices = @transform_0, window_bounds = array<i64: 4096, 128>}, {pipeline_mode = #tpu.pipeline_mode<synchronous>, transform_indices = @transform_1, window_bounds = array<i64: 4096, 128>}, {pipeline_mode = #tpu.pipeline_mode<synchronous>, transform_indices = @transform_2, window_bounds = array<i64: 8, 128>}, {pipeline_mode = #tpu.pipeline_mode<synchronous>, transform_indices = @transform_3, window_bounds = array<i64: 4096, 128>}]} {
    %get3A = arith.constant 0 : index
    %get3A_0 = arith.constant 0 : index
    %get3A_1 = vector.load %arg3[%get3A, %get3A_0] : memref<8x128xf32, #tpu.memory_space<vmem>>, vector<1x128xf32>
    %get3A_2 = arith.constant 1 : index
    %get3A_3 = arith.constant 0 : index
    %get3A_4 = vector.load %arg3[%get3A_2, %get3A_3] : memref<8x128xf32, #tpu.memory_space<vmem>>, vector<1x128xf32>
    %gt3A = arith.constant 0.000000e+00 : f32
    %gt3A_5 = vector.broadcast %gt3A : f32 to vector<1x128xf32>
    %gt3A_6 = arith.cmpf ogt, %get3A_1, %gt3A_5 : vector<1x128xf32>
    %get3A_7 = arith.constant 0 : index
    %get3A_8 = arith.constant 0 : index
    %get3A_9 = vector.load %arg1[%get3A_7, %get3A_8] : memref<4096x128xf32, #tpu.memory_space<vmem>>, vector<4096x128xf32>
    %get3A_10 = arith.constant 0 : index
    %get3A_11 = arith.constant 0 : index
    %get3A_12 = vector.load %arg2[%get3A_10, %get3A_11] : memref<4096x128xf32, #tpu.memory_space<vmem>>, vector<4096x128xf32>
    %broadcast_in_dim3A = vector.shape_cast %gt3A_6 : vector<1x128xi1> to vector<1x128xi1>
    %broadcast_in_dim3A_13 = vector.broadcast %broadcast_in_dim3A : vector<1x128xi1> to vector<4096x128xi1>
    %select_n3A = arith.select %broadcast_in_dim3A_13, %get3A_9, %get3A_12 : vector<4096x128xi1>, vector<4096x128xf32>
    %mul3A = vector.broadcast %get3A_1 : vector<1x128xf32> to vector<4096x128xf32>
    %mul3A_14 = arith.mulf %select_n3A, %mul3A : vector<4096x128xf32>
    %add3A = vector.broadcast %get3A_4 : vector<1x128xf32> to vector<4096x128xf32>
    %add3A_15 = arith.addf %mul3A_14, %add3A : vector<4096x128xf32>
    %max3A = arith.constant 0.000000e+00 : f32
    %max3A_16 = vector.broadcast %max3A : f32 to vector<4096x128xf32>
    %max3A_17 = arith.maximumf %add3A_15, %max3A_16 : vector<4096x128xf32>
    %swap3A = arith.constant 0 : index
    %swap3A_18 = arith.constant 0 : index
    %swap3A_19 = vector.load %arg4[%swap3A, %swap3A_18] : memref<4096x128xf32, #tpu.memory_space<vmem>>, vector<4096x128xf32>
    tpu.vector_store %arg4[%swap3A, %swap3A_18], %max3A_17 {strides = array<i32>} : memref<4096x128xf32, #tpu.memory_space<vmem>>, vector<4096x128xf32>,
    return
  }
  func.func @transform_0(%arg0: i32) -> (i32, i32) {
    %c0_i32 = arith.constant 0 : i32
    %c0_i32_0 = arith.constant 0 : i32
    %c0_i32_1 = arith.constant 0 : i32
    return %c0_i32, %c0_i32_0 : i32, i32
  }
  func.func @transform_1(%arg0: i32) -> (i32, i32) {
    %c0_i32 = arith.constant 0 : i32
    %c0_i32_0 = arith.constant 0 : i32
    %c0_i32_1 = arith.constant 0 : i32
    return %c0_i32, %c0_i32_0 : i32, i32
  }
  func.func @transform_2(%arg0: i32) -> (i32, i32) {
    %c0_i32 = arith.constant 0 : i32
    %c0_i32_0 = arith.constant 0 : i32
    %c0_i32_1 = arith.constant 0 : i32
    return %c0_i32, %c0_i32_0 : i32, i32
  }
  func.func @transform_3(%arg0: i32) -> (i32, i32) {
    %c0_i32 = arith.constant 0 : i32
    %c0_i32_0 = arith.constant 0 : i32
    %c0_i32_1 = arith.constant 0 : i32
    return %c0_i32, %c0_i32_0 : i32, i32
  }
}

</mosaic_0001>

<sc_bundles>
// kernel: kernel.9.cloned.1.call-start
scs
__scs_entry_jumppad:
0x0: {  	(pc) =	sbr.rel $0x88, $3  }
0x1: {  	(tag) =	ssettag $0x0;
	lr =	simm.s32 $0x1  }
0x2: {  	[smem:$0x3F92] =	sst lr;
	_ =	strace $0xD0000000  }
0x3: {  	_ = 	snop  }
0x4: {  	_ = 	snop  }
0x5: {  	_ = 	snop  }
0x6: {  	_ = 	snop  }
0x7: {  	_ = 	snop  }
__scs_overlays_trampoline_lowered:
0x8: {  	[smem:$0x3FA1] =	sst s0  }
0x9: {  	[smem:$0x3FA2] =	sst s1  }
0xa: {  	[smem:$0x3FA3] =	sst s2  }
0xb: {  	[smem:$0x3FA4] =	sst s3  }
0xc: {  	[smem:$0x3FA5] =	sst s4  }
0xd: {  	[smem:$0x3FA6] =	sst s5  }
0xe: {  	[smem:$0x3FA7] =	sst s6  }
0xf: {  	[smem:$0x3FA8] =	sst s7  }
0x10: {  	[smem:$0x3FA9] =	sst s8  }
0x11: {  	[smem:$0x3FAA] =	sst s9;
	s0 =	simm.s32 @!p0 $0x0  }
0x12: {  	s1 =	sld [smem:$0x3F90];
	s0 =	simm.s32 @p0 $0x1  }
0x13: {  	[smem:$0x3FAB] =	sst s0;
	s0 =	simm.s32 @!p1 $0x0  }
0x14: {  	s2 =	sld [smem:$0x3F8F];
	s0 =	simm.s32 @p1 $0x1  }
0x15: {  	[smem:$0x3FAC] =	sst s0;
	s0 =	simm.s32 @!p2 $0x0  }
0x16: {  	s3 =	sld [smem:$0x3FDB];
	s0 =	simm.s32 @p2 $0x1  }
0x17: {  	s4 =	simm.s32 $0x1BF5;
	[smem:$0x3FAE] =	sst s0  }
0x18: {  	s0 =	sld [smem:$0x3F91];
	_ =	swait.ge [sflag:s4], $0x0  }
0x19: {  	s7 =	sld [smem:$0x3F92]  }
0x1a: {  	s8 =	sadd.s32 $0xFFFFE003, lr  }
0x1b: {  	s9 =	sadd.s32 $0xFFFFFEF7, lr;
	s5 =	simm.s32 $0xFFFFFFFF;
	p2 =	slt.u32 s8, $0xFFFFF086  }
0x1c: {  	p1 =	slt.u32 s9, $0xF7A;
	s5 =	simm.s32 @!p2 $0x0  }
0x1d: {  	s5 =	simm.s32 @p1 $0x1;
	p0 =	seq.s32 s7, s2  }
0x1e: {  	s7 =	smul.u32 @!p0 $0xF7A, s2;
	p2 =	seq.s32 @!p0 s5, $0x0  }
0x1f: {  	s9 =	smul.u32 $0xF7A, s1;
	s8 =	simm.s32 @!p0 $0x1BF5;
	p2 =	por !p2, p0  }
0x20: {  	[sflag:s8] =	ssyncset.s32 @!p0 $0xFFFFF086;
	s6 =	sadd.s32 @!p0 s3, s7;
	s7 =	simm.s32 @!p0 $0x108  }
0x21: {  	s3 =	sadd.s32 s3, s9;
	s6 =	sadd.s32 @!p0 $0x88, s6;
	s7 =	simm.s32 @p2 $0x1082  }
0x22: {  	[simem:s7], [sflag:s8] =	dma.local @!p0 [hbm:s6], $0xF7A  }
0x23: {  	s9 =	sor.u32 $0xD0000000, s2;
	s6 =	simm.s32 $0x108;
	_ =	swait.ge @!p0 [sflag:s8], $0x0  }
0x24: {  	s3 =	sadd.s32 $0x88, s3;
	s6 =	simm.s32 @!p1 $0x1082;
	[sflag:s4] =	ssyncset.s32 $0xFFFFF086  }
0x25: {  	[simem:s6], [sflag:s4] =	dma.local [hbm:s3], $0xF7A  }
0x26: {  	[smem:$0x3F92] =	sst s1;
	(tag) =	ssettag s2;
	_ =	strace s9  }
0x27: {  	s1 =	sld [smem:$0x3FA2]  }
0x28: {  	s2 =	sld [smem:$0x3FA3]  }
0x29: {  	s4 =	sld [smem:$0x3FA5]  }
0x2a: {  	p0 =	seq.s32 s5, $0x0;
	s5 =	sld [smem:$0x3FA6]  }
0x2b: {  	s6 =	sld [smem:$0x3FA7]  }
0x2c: {  	s7 =	sld [smem:$0x3FA8]  }
0x2d: {  	s3 =	simm.s32 $0x108;
	s8 =	sld [smem:$0x3FA9]  }
0x2e: {  	s3 =	simm.s32 @!p0 $0x1082;
	s9 =	sld [smem:$0x3FAA]  }
0x2f: {  	lr =	sadd.s32 s0, s3;
	s0 =	sld [smem:$0x3FA1]  }
0x30: {  	s3 =	sld [smem:$0x3FA4]  }
0x31: {  	[smem:$0x3FAD] =	sst s10  }
0x32: {  	s10 =	sld [smem:$0x3FAB];
	_ =	sdelay $0x3  }
0x33: {  	p0 =	seq.s32 s10, $0x1;
	s10 =	sld [smem:$0x3FAD];
	_ =	sdelay $0x3  }
0x34: {  	[smem:$0x3FAD] =	sst s10  }
0x35: {  	s10 =	sld [smem:$0x3FAC];
	_ =	sdelay $0x3  }
0x36: {  	p1 =	seq.s32 s10, $0x1;
	s10 =	sld [smem:$0x3FAD];
	_ =	sdelay $0x3  }
0x37: {  	[smem:$0x3FAD] =	sst s10  }
0x38: {  	s10 =	sld [smem:$0x3FAE]  }
0x39: {  	_ = 	snop;
	(pc) =	sbr.ind lr, $3  }
0x3a: {  	_ = 	snop  }
0x3b: {  	_ = 	snop  }
0x3c: {  	p2 =	seq.s32 s10, $0x1;
	s10 =	sld [smem:$0x3FAD]  }
0x3d: {  	_ =	shalt  }
0x3e: {  	_ =	shalt  }
0x3f: {  	_ =	shalt  }
0x40: {  	_ =	shalt  }
0x41: {  	_ =	shalt  }
0x42: {  	_ =	shalt  }
0x43: {  	_ =	shalt  }
0x44: {  	_ =	shalt  }
0x45: {  	_ =	shalt  }
0x46: {  	_ =	shalt  }
0x47: {  	_ =	shalt  }
0x48: {  	_ =	shalt  }
0x49: {  	_ =	shalt  }
0x4a: {  	_ =	shalt  }
0x4b: {  	_ =	shalt  }
0x4c: {  	_ =	shalt  }
0x4d: {  	_ =	shalt  }
0x4e: {  	_ =	shalt  }
0x4f: {  	_ =	shalt  }
0x50: {  	_ =	shalt  }
0x51: {  	_ =	shalt  }
0x52: {  	_ =	shalt  }
0x53: {  	_ =	shalt  }
0x54: {  	_ =	shalt  }
0x55: {  	_ =	shalt  }
0x56: {  	_ =	shalt  }
0x57: {  	_ =	shalt  }
0x58: {  	_ =	shalt  }
0x59: {  	_ =	shalt  }
0x5a: {  	_ =	shalt  }
0x5b: {  	_ =	shalt  }
0x5c: {  	_ =	shalt  }
0x5d: {  	_ =	shalt  }
0x5e: {  	_ =	shalt  }
0x5f: {  	_ =	shalt  }
0x60: {  	_ =	shalt  }
0x61: {  	_ =	shalt  }
0x62: {  	_ =	shalt  }
0x63: {  	_ =	shalt  }
0x64: {  	_ =	shalt  }
0x65: {  	_ =	shalt  }
0x66: {  	_ =	shalt  }
0x67: {  	_ =	shalt  }
0x68: {  	_ =	shalt  }
0x69: {  	_ =	shalt  }
0x6a: {  	_ =	shalt  }
0x6b: {  	_ =	shalt  }
0x6c: {  	_ =	shalt  }
0x6d: {  	_ =	shalt  }
0x6e: {  	_ =	shalt  }
0x6f: {  	_ =	shalt  }
0x70: {  	_ =	shalt  }
0x71: {  	_ =	shalt  }
0x72: {  	_ =	shalt  }
0x73: {  	_ =	shalt  }
0x74: {  	_ =	shalt  }
0x75: {  	_ =	shalt  }
0x76: {  	_ =	shalt  }
0x77: {  	_ =	shalt  }
0x78: {  	_ =	shalt  }
0x79: {  	_ =	shalt  }
0x7a: {  	_ =	shalt  }
0x7b: {  	_ =	shalt  }
0x7c: {  	_ =	shalt  }
0x7d: {  	_ =	shalt  }
0x7e: {  	_ =	shalt  }
0x7f: {  	_ =	shalt  }
0x80: {  	_ =	shalt  }
0x81: {  	_ =	shalt  }
0x82: {  	_ =	shalt  }
0x83: {  	_ =	shalt  }
0x84: {  	_ =	shalt  }
0x85: {  	_ =	shalt  }
0x86: {  	_ =	shalt  }
0x87: {  	_ =	shalt  }
.Lfunc_end0:
.L_simem_size_0:
called_computation_lowered:
.L_overlay_start_0:
0x88: {  	s2 =	sld [smem:$0x3FD9]  }
0x89: {  	s3 =	sld [smem:$0x3FFE];
	_ =	sdelay $0x1  }
0x8a: {  	s1 =	srdreg.scid  }
0x8b: {  	s0 =	sand.u32 $0x1, s1  }
0x8c: {  	s14 =	sshll.u32 s0, $0xA;
	s2 =	sadd.s32 s3, s2  }
0x8d: {  	s2 =	sadd.s32 s2, s14  }
0x8e: {  	[smem:$0x3FB9] =	sst s2  }
0x8f: {  	_ = 	snop  }
0x90: {  	s2 =	sld [smem:$0x3FD0];
	_ =	sdelay $0x2  }
0x91: {  	s15 =	simm.s32 $0xA;
	s4 =	simm.s32 $0x10  }
0x92: {  	[smem:s4], [sflag:s15] =	dma.local [hbm:s2], $0x1  }
0x93: {  	_ =	swait.eq [sflag:s15], $0x1  }
0x94: {  	[sflag:s15] =	ssyncset.done $0x0  }
0x95: {  	[sflag:s15] =	ssyncadd.s32 $0xFFFFFFFF  }
0x96: {  	s16 =	sld [smem:$0x11];
	(tm) =	ssettm $0x1  }
0x97: {  	s17 =	sld [smem:$0x3FFB];
	_ =	sdelay $0x3  }
0x98: {  	_ =	strace s17  }
0x99: {  	s3 =	sld [smem:$0x3FFC];
	_ =	sdelay $0x3  }
0x9a: {  	_ =	strace s3  }
0x9b: {  	s3 =	sld [smem:$0x3FFD];
	_ =	sdelay $0x3  }
0x9c: {  	_ =	strace s3  }
0x9d: {  	_ =	strace $0x8FFFFFFF  }
0x9e: {  	s18 =	sld [smem:$0x3FDB];
	_ =	sdelay $0x1  }
0x9f: {  	s19 =	simm.s32 $_scs_section_size  }
0xa0: {  	s5 =	simm.s32 $_size__tile_overlayer_lowered;
	s6 =	simm.s32 $_tile_overlayer_lowered  }
0xa1: {  	s22 =	simm.s32 $0x1BFF;
	s21 =	sshll.u32 s6, $0x1;
	s3 =	sadd.s32 s19, s18  }
0xa2: {  	s7 =	simm.s32 $0x0;
	s20 =	sshll.u32 s5, $0x1;
	s5 =	sadd.s32 s21, s3  }
0xa3: {  	[timem:s7], [sflag:s22] =	dma.local [hbm:s5], s20  }
0xa4: {  	_ =	swait.ge [sflag:s22], s20  }
0xa5: {  	s4 =	ssub.s32 $0x0, s20;
	[sflag:s22] =	ssyncset.done $0x0  }
0xa6: {  	[sflag:s22] =	ssyncadd.s32 s4;
	_ =	sdelay $0x1  }
0xa7: {  	s23 =	simm.s32 $0x1B8B  }
0xa8: {  	_ =	swait.ge [sflag:s23], $0x1  }
0xa9: {  	[sflag:s23] =	ssyncset.done $0x0  }
0xaa: {  	s25 =	simm.s32 $0x1B8E;
	s24 =	sld [smem:$0x3FFE];
	[sflag:s23] =	ssyncadd.s32 $0xFFFFFFFF  }
0xab: {  	s26 =	simm.s32 $execute0_lowered;
	[smem:$0x3FD2] =	sst s25  }
0xac: {  	s5 =	sshll.u32 s26, $0x1;
	_ =	strace $0x80000046;
	[dreg:$0x1] =	wrdreg $0xFFFFFFFF  }
0xad: {  	s28 =	simm.s32 $_size_execute0_lowered;
	s3 =	sadd.s32 s3, s5;
	[dreg:$0x0] =	wrdreg $0x0  }
0xae: {  	s5 =	sshll.u32 s28, $0x1;
	[dreg:$0x2] =	wrdreg s3  }
0xaf: {  	[dreg:$0x3] =	wrdreg s5  }
0xb0: {  	[dreg:$0x4] =	wrdreg $0xC0  }
0xb1: {  	_ =	task [dreg:s7], $0x5FFFF  }
0xb2: {  	[dreg:$0x1] =	wrdreg $0xFFFFFFFF  }
0xb3: {  	[dreg:$0x0] =	wrdreg $0x60  }
0xb4: {  	[dreg:$0x2] =	wrdreg s24  }
0xb5: {  	[dreg:$0x3] =	wrdreg s16  }
0xb6: {  	[dreg:$0x4] =	wrdreg $0x9  }
0xb7: {  	_ =	task.clear_ibuf [dreg:s7], $0x5FFFF;
	_ =	strace $0x90000046  }
0xb8: {  	s29 =	simm.s32 $0x9;
	_ =	strace $0x80000048  }
0xb9: {  	_ =	swait.ge [sflag:s29], $0x1  }
0xba: {  	[sflag:s29] =	ssyncadd.s32 $0xFFFFFFFF  }
0xbb: {  	_ =	strace $0x90000048  }
0xbc: {  	_ =	sfence  }
0xbd: {  	s30 =	sld [smem:$0x0];
	_ =	sdelay $0x2  }
0xbe: {  	s31 =	sshll.u32 s1, $0xD;
	s1 =	sshrl.u32 s1, $0x2  }
0xbf: {  	s3 =	sand.u32 $0x4000, s31;
	s1 =	sadd.s32 s1, s30  }
0xc0: {  	s0 =	sor.u32 s3, s0;
	s1 =	sshll.u32 s1, $0x11  }
0xc1: {  	s0 =	sor.u32 s1, s0  }
0xc2: {  	s0 =	sadd.s32 $0x8F2B, s0  }
0xc3: {  	[sflag:s0] =	ssyncadd.remote.s32 $0x1  }
0xc4: {  	_ =	sfence.sel $0xFFFF  }
0xc5: {  	[dreg:$0x0] =	wrdreg $0xFFFFFFFF;
	(pc) =	sbr.abs _section_cstart, $3  }
0xc6: {  	[dreg:$0x1] =	wrdreg $0xFFFFFFFF  }
0xc7: {  	_ =	task.clear_ibuf [dreg:s7], $0x2FFFF;
	_ =	strace $0x9FFFFFFF  }
0xc8: {  	(tm) =	ssettm $0x7FFFFFFF  }
0xc9: {  	_ =	shalt  }
tec
execute0_lowered:
.L_overlay_start_1:
0x0: {  	(tag) =	ssettag $0x1  }
0x1: {  	s4 =	rddreg [dreg:$0x0]  }
0x2: {  	s6 =	rddreg [dreg:$0x1]  }
0x3: {  	s0 =	rddreg [dreg:$0x2];
	s2 =	simm.s32 $0x0;
	s1 =	stileid.u32  }
0x4: {  	s3 =	srdreg.scid;
	[smem:$0x7FF] =	sst s2  }
0x5: {  	s5 =	sshll.u32 s1, $0x11;
	s7 =	sand.u32 $0x1, s3;
	s3 =	sadd.s32 $0x43400, s4  }
0x6: {  	s9 =	sshll.u32 s1, $0xD;
	_ =	strace $0x80000047;
	s5 =	sadd.s32 s5, s4  }
0x7: {  	s29 =	ssub.s32 $0x2, s7;
	s10 =	sshll.u32 s7, $0xC;
	s7 =	sshll.u32 s7, $0x10  }
0x8: {  	s8 =	sshrl.u32 s29, $0x1;
	s30 =	sor.u32 s10, s9;
	s5 =	sadd.s32 s7, s5  }
0x9: {  	s7 =	simm.s32 $0x2;
	s9 =	simm.s32 $0x1;
	s10 =	simm.s32 $0x0  }
0xa: {  	s4 =	ssub.s32 s29, s8;
	s31 =	sshrl.u32 s30, $0x3;
	s5 =	sadd.s32 $0x83400, s5  }
0xb: {  	s8 =	simm.s32 $0x200;
	s4 =	smax.u32 s4, $0x1;
	s6 =	sadd.s32 s31, s6  }
.LBB2_1:
0xc: {  	s11 =	sadd.s32 $0x0, s6  }
0xd: {  	[tilespmem:s2], [sflag:$0x2] =	stream.linear.gather [hbm4b:s11+s2], $0x200, $0x38;
	[tilespmem:$0x10200] =	vst v63  }
0xe: {  	_ =	swait.ge [sflag:s7], $0x200  }
0xf: {  	[sflag:s7] =	ssyncset.done $0x0  }
0x10: {  	[sflag:s7] =	ssyncadd.s32 $0xFFFFFE00  }
0x11: {  	[tilespmem:s8], [sflag:$0x1] =	stream.indirect.gather [hbm4b:s3+s8], $0x80, s2, s8, $0xb8;
	[tilespmem:$0x10200] =	vst v63  }
0x12: {  	_ =	swait.ge [sflag:s9], $0x10000  }
0x13: {  	[sflag:s9] =	ssyncset.done $0x0  }
0x14: {  	[sflag:s9] =	ssyncadd.s32 $0xFFFF0000  }
0x15: {  	[hbm4b:s5+s2] =	stream.linear.scatter [tilespmem:s8], [sflag:$0x2], $0x10000, $0x38;
	[tilespmem:$0x10200] =	vst v63  }
0x16: {  	s12 =	simm.s32 $0x40;
	_ =	swait.ge [sflag:s7], $0x10000  }
0x17: {  	s13 =	simm.s32 $0x80;
	s11 =	sadd.s32 $0x2000, s5;
	[sflag:s7] =	ssyncset.done $0x0  }
.LBB2_2:
0x18: {  	s14 =	sadd.s32 s12, s6  }
0x19: {  	[sflag:s7] =	ssyncadd.s32 $0xFFFF0000;
	s12 =	smov.u32 s13;
	s15 =	sadd.s32 $0x40, s13  }
0x1a: {  	[tilespmem:s2], [sflag:$0x2] =	stream.linear.gather [hbm4b:s14+s2], $0x200, $0x38;
	[tilespmem:$0x10200] =	vst v63  }
0x1b: {  	p0 =	sne.s32 s13, $0x1C0;
	_ =	swait.ge [sflag:s7], $0x200  }
0x1c: {  	[sflag:s7] =	ssyncset.done $0x0  }
0x1d: {  	[sflag:s7] =	ssyncadd.s32 $0xFFFFFE00  }
0x1e: {  	[tilespmem:s8], [sflag:$0x1] =	stream.indirect.gather [hbm4b:s3+s8], $0x80, s2, s8, $0xb8;
	[tilespmem:$0x10200] =	vst v63  }
0x1f: {  	_ =	swait.ge [sflag:s9], $0x10000  }
.Ltmp0:
0x20: {  	[sflag:s9] =	ssyncset.done $0x0;
	(pc) =	sbr.rel @p0 .LBB2_2-.Ltmp0, $4  }
0x21: {  	[sflag:s9] =	ssyncadd.s32 $0xFFFF0000  }
0x22: {  	[hbm4b:s11+s2] =	stream.linear.scatter [tilespmem:s8], [sflag:$0x2], $0x10000, $0x38;
	[tilespmem:$0x10200] =	vst v63  }
0x23: {  	_ =	swait.ge [sflag:s7], $0x10000  }
0x24: {  	s13 =	smov.u32 s15;
	s11 =	sadd.s32 $0x2000, s11;
	[sflag:s7] =	ssyncset.done $0x0  }
0x25: {  	s12 =	sadd.s32 s12, s6;
	[sflag:s7] =	ssyncadd.s32 $0xFFFF0000  }
0x26: {  	[tilespmem:s2], [sflag:$0x2] =	stream.linear.gather [hbm4b:s12+s2], $0x200, $0x38;
	[tilespmem:$0x10200] =	vst v63  }
0x27: {  	_ =	swait.ge [sflag:s7], $0x200  }
0x28: {  	[sflag:s7] =	ssyncset.done $0x0  }
0x29: {  	[sflag:s7] =	ssyncadd.s32 $0xFFFFFE00  }
0x2a: {  	[tilespmem:s8], [sflag:$0x1] =	stream.indirect.gather [hbm4b:s3+s8], $0x80, s2, s8, $0xb8;
	[tilespmem:$0x10200] =	vst v63  }
0x2b: {  	s10 =	sadd.s32 $0x1, s10;
	_ =	swait.ge [sflag:s9], $0x10000  }
0x2c: {  	p0 =	sne.s32 s10, s4;
	[sflag:s9] =	ssyncset.done $0x0  }
.Ltmp1:
0x2d: {  	[sflag:s9] =	ssyncadd.s32 $0xFFFF0000;
	(pc) =	sbr.rel @p0 .LBB2_1-.Ltmp1, $4  }
0x2e: {  	[hbm4b:s11+s2] =	stream.linear.scatter [tilespmem:s8], [sflag:$0x2], $0x10000, $0x38;
	[tilespmem:$0x10200] =	vst v63  }
0x2f: {  	_ =	swait.ge [sflag:s7], $0x10000  }
0x30: {  	[sflag:s7] =	ssyncset.done $0x0  }
0x31: {  	[sflag:s7] =	ssyncadd.s32 $0xFFFF0000  }
0x32: {  	_ =	sfence.sel $0x180000  }
0x33: {  	[bflag:$0x0] =	sbarrier.arrive $0xFFFF  }
0x34: {  	p0 =	sne.s32 s1, $0x0;
	_ =	strace $0x90000047  }
0x35: {  	s0 =	sadd.s32 @!p0 $0x100000, s0;
	[bflag:$0x2] =	sbarrier.arrive $0xFFFF  }
0x36: {  	[sflag:s0] =	ssyncadd.tile.s32 @!p0 $0x1;
	_ =	shalt  }
.Lfunc_end2:
_tile_overlayer_lowered:
.L_overlay_start_2:
0x37: {  	(tag) =	ssettag $0x2  }
0x38: {  	s0 =	rddreg [dreg:$0x0];
	s2 =	stileid.u32  }
0x39: {  	s1 =	rddreg [dreg:$0x1];
	p0 =	sne.s32 s2, $0x0  }
0x3a: {  	s3 =	rddreg [dreg:$0x2];
	[bflag:$0x3] =	sbarrier.arrive $0xFFFF;
	s2 =	simm.s32 @!p0 $0x1C02  }
0x3b: {  	[timem:s3], [sflag:s2] =	dma.local @!p0 [hbm:s0], s1  }
0x3c: {  	s0 =	simm.s32 @!p0 $0x2  }
0x3d: {  	_ =	swait.ge @!p0 [sflag:s0], s1  }
0x3e: {  	s1 =	ssub.s32 @!p0 $0x0, s1;
	[sflag:s0] =	ssyncset.done @!p0 $0x0  }
0x3f: {  	[sflag:s0] =	ssyncadd.s32 @!p0 s1  }
0x40: {  	[bflag:$0x3] =	sbarrier.arrive $0xFFFF  }
0x41: {  	_ =	shalt  }

</sc_bundles>
